<compile_context>
chip_gen: v7x
topology: tpu7x:2x2x1
jax: 0.10.2.dev20260603
libtpu: 0.0.44.dev20260713+nightly
codegen_flags: <defaults>
</compile_context>

<pallas_src>
import functools

import jax
import jax.numpy as jnp
from jax import lax
from jax.experimental import pallas as pl
from jax.experimental.pallas import tpu as pltpu
from jax.experimental.pallas import tpu_sc as plsc

NC, NS = 2, 16
NW = NC * NS


def _sc_embed(inT, tabT, offsets, *, E, e0, rpw):
    F, B = inT.shape
    pk = E * rpw

    mesh = plsc.VectorSubcoreMesh(
        core_axis_name="c", subcore_axis_name="s",
        num_cores=NC, num_subcores=NS)

    @functools.partial(
        pl.kernel,
        out_type=jax.ShapeDtypeStruct((F, B), jnp.float32),
        mesh=mesh,
        compiler_params=pltpu.CompilerParams(
            needs_layout_passes=False, use_tc_tiling_on_sc=False),
        scratch_types=[
            pltpu.VMEM((E, rpw), jnp.float32),
            pltpu.VMEM((pk,), jnp.int32),
            pltpu.VMEM((pk,), jnp.float32),
            pltpu.VMEM((E,), jnp.int32),
            pltpu.SemaphoreType.DMA,
            pltpu.SemaphoreType.DMA,
            pltpu.SemaphoreType.DMA,
        ],
    )
    def k(in_hbm, tab_hbm, off_hbm, out_hbm,
          ids2, idxv, vals1, offv, gsem, psem, wsem):
        wid = lax.axis_index("s") * NC + lax.axis_index("c")
        c0 = wid * rpw
        tab1 = tab_hbm.at[0]

        pt = pltpu.async_copy(
            in_hbm.at[pl.ds(0, e0), pl.ds(c0, rpw)],
            out_hbm.at[pl.ds(0, e0), pl.ds(c0, rpw)], psem)
        pltpu.sync_copy(off_hbm, offv)
        pltpu.sync_copy(in_hbm.at[pl.ds(e0, E), pl.ds(c0, rpw)], ids2)

        @pl.loop(0, E)
        def _build(c):
            ov = plsc.load_gather(offv, [jnp.full((16,), c, jnp.int32)])
            for i in range(rpw // 16):
                raw = ids2[c, pl.ds(i * 16, 16)]
                idxv[pl.ds(c * rpw + i * 16, 16)] = (
                    raw.astype(jnp.int32) + ov)
            pltpu.async_copy(
                tab1.at[idxv.at[pl.ds(c * rpw, rpw)]],
                vals1.at[pl.ds(c * rpw, rpw)], gsem)

        pltpu.make_async_copy(
            tab1.at[pl.ds(0, pk)], vals1, gsem).wait()

        @pl.loop(0, E)
        def _place(c):
            for i in range(rpw // 16):
                res = vals1[pl.ds(c * rpw + i * 16, 16)]
                ids2[c, pl.ds(i * 16, 16)] = res
            pltpu.async_copy(
                ids2.at[c], out_hbm.at[e0 + c, pl.ds(c0, rpw)], wsem)

        @pl.loop(0, E)
        def _drainw(c):
            pltpu.make_async_copy(
                ids2.at[0], out_hbm.at[e0, pl.ds(c0, rpw)], wsem).wait()
        pt.wait()

    return k(inT, tabT, offsets)


def kernel(input, table, embedding_indices, offsets):
    B, F = input.shape
    E = embedding_indices.shape[0]
    outT = _sc_embed(
        input.T, table.T, offsets, E=E, e0=F - E, rpw=B // NW)
    return outT.T

# --- scband reference (transcript-rebuilt; emitter-appended) ---
"""Pipeline reference for scband-stacked-embedding-523986010229 (READ-ONLY COPY).

The authoritative reference and input builder live on the scoring server;
editing this copy changes nothing except your own understanding.
"""

import jax, jax.numpy as jnp
import numpy as np

EMB_INDICES = list(range(13, 39))
NUM_EMB = [100000] * 26


def setup_inputs(seed: int = 0) -> dict:
    key = jax.random.key(seed)
    k1, k2 = jax.random.split(key)
    B, F = 16384, 39
    # input carries raw categorical ids (in float storage) plus dense features
    inp = jax.random.randint(k1, (B, F), 0, 100000).astype(jnp.float32)
    total = int(sum(NUM_EMB))
    table = jax.random.normal(k2, (total, 1), dtype=jnp.float32)
    embedding_indices = jnp.array(EMB_INDICES, dtype=jnp.int32)
    offsets = jnp.array([sum(NUM_EMB[:i]) for i in range(len(NUM_EMB))], dtype=jnp.int32)
    return {"input": inp, "table": table, "embedding_indices": embedding_indices, "offsets": offsets}


def reference(input, table, embedding_indices, offsets):
    # _input = input[..., embedding_indices]
    gathered = jnp.take(input, embedding_indices, axis=-1)
    # _input = _input + offsets (after cast to int ids)
    idx = gathered.astype(jnp.int32) + offsets
    # output = self.embeddings(_input.long())  -> gather from stacked table
    emb = jnp.take(table, idx, axis=0)  # [B, 26, 1]
    # stack=True: reshape to [*input.shape[:-1], -1]
    out = emb.reshape(input.shape[:-1] + (-1,))  # [B, 26]
    # input[..., embedding_indices] = output (functional scatter-overwrite)
    result = input.at[:, embedding_indices].set(out)
    return result

if __name__ == "__main__":
    import jax
    _d = setup_inputs()
    print(jax.jit(kernel)(*tuple(_d.values())))

</pallas_src>

<mosaic_0001>
#map = affine_map<(d0, d1) -> (0, 0)>
#map1 = affine_map<(d0, d1) -> (0)>
module attributes {stable_mosaic.version = 14 : i64} {
  func.func @k(%arg0: i32, %arg1: i32, %arg2: memref<39x16384xf32, #tpu.memory_space<hbm>>, %arg3: memref<1x2600000xf32, #tpu.memory_space<hbm>>, %arg4: memref<26xi32, #tpu.memory_space<hbm>>, %arg5: memref<39x16384xf32, #tpu.memory_space<hbm>>, %arg6: memref<26x512xf32, #tpu.memory_space<vmem>>, %arg7: memref<13312xi32, #tpu.memory_space<vmem>>, %arg8: memref<13312xf32, #tpu.memory_space<vmem>>, %arg9: memref<26xi32, #tpu.memory_space<vmem>>, %arg10: memref<!tpu.dma_semaphore, #tpu.memory_space<semaphore_mem>>, %arg11: memref<!tpu.dma_semaphore, #tpu.memory_space<semaphore_mem>>, %arg12: memref<!tpu.dma_semaphore, #tpu.memory_space<semaphore_mem>>) attributes {dimension_semantics = [#tpu.dimension_semantics<core_parallel>, #tpu.dimension_semantics<subcore_parallel>], iteration_bounds = array<i64: 2, 16>, scalar_prefetch = 0 : i64, scratch_operands = 7 : i64, tpu.core_type = #tpu.core_type<sc_vector_subcore>, window_params = [{transform_indices = #map}, {transform_indices = #map}, {transform_indices = #map1}, {transform_indices = #map}]} {
    %mul3A = arith.constant 2 : i32
    %mul3A_0 = arith.muli %arg1, %mul3A : i32
    %add3A = arith.addi %mul3A_0, %arg0 : i32
    %mul3A_1 = arith.constant 512 : i32
    %mul3A_2 = arith.muli %add3A, %mul3A_1 : i32
    %dma_start3A = arith.constant 0 : i32
    %dma_start3A_3 = tpu.memref_slice %arg5[%dma_start3A, %mul3A_2] : memref<39x16384xf32, #tpu.memory_space<hbm>> -> memref<13x512xf32, #tpu.memory_space<hbm>>
    %dma_start3A_4 = arith.constant 0 : i32
    %dma_start3A_5 = tpu.memref_slice %arg2[%dma_start3A_4, %mul3A_2] : memref<39x16384xf32, #tpu.memory_space<hbm>> -> memref<13x512xf32, #tpu.memory_space<hbm>>
    tpu.enqueue_dma source(%dma_start3A_5 : memref<13x512xf32, #tpu.memory_space<hbm>>) target(%dma_start3A_3 : memref<13x512xf32, #tpu.memory_space<hbm>>) target_semaphore(%arg11 : memref<!tpu.dma_semaphore, #tpu.memory_space<semaphore_mem>>)
    "tpu.region"() ({
      %run_scoped3A = tpu.sem_alloc : memref<!tpu.dma_semaphore, #tpu.memory_space<semaphore_mem>>
      tpu.enqueue_dma source(%arg4 : memref<26xi32, #tpu.memory_space<hbm>>) target(%arg9 : memref<26xi32, #tpu.memory_space<vmem>>) target_semaphore(%run_scoped3A : memref<!tpu.dma_semaphore, #tpu.memory_space<semaphore_mem>>)
      tpu.wait_dma2 semaphore(%run_scoped3A : memref<!tpu.dma_semaphore, #tpu.memory_space<semaphore_mem>>) src(%arg4 : memref<26xi32, #tpu.memory_space<hbm>>) dst(%arg9 : memref<26xi32, #tpu.memory_space<vmem>>)
      tpu.yield
    }) : () -> ()
    "tpu.region"() ({
      %run_scoped3A = tpu.sem_alloc : memref<!tpu.dma_semaphore, #tpu.memory_space<semaphore_mem>>
      %dma_start3A_35 = arith.constant 13 : i32
      %dma_start3A_36 = tpu.memref_slice %arg2[%dma_start3A_35, %mul3A_2] : memref<39x16384xf32, #tpu.memory_space<hbm>> -> memref<26x512xf32, #tpu.memory_space<hbm>>
      %dma_start3A_37 = arith.constant 13 : i32
      %dma_start3A_38 = tpu.memref_slice %arg2[%dma_start3A_37, %mul3A_2] : memref<39x16384xf32, #tpu.memory_space<hbm>> -> memref<26x512xf32, #tpu.memory_space<hbm>>
      tpu.enqueue_dma source(%dma_start3A_38 : memref<26x512xf32, #tpu.memory_space<hbm>>) target(%arg6 : memref<26x512xf32, #tpu.memory_space<vmem>>) target_semaphore(%run_scoped3A : memref<!tpu.dma_semaphore, #tpu.memory_space<semaphore_mem>>)
      %dma_wait3A_39 = arith.constant 13 : i32
      %dma_wait3A_40 = tpu.memref_slice %arg2[%dma_wait3A_39, %mul3A_2] : memref<39x16384xf32, #tpu.memory_space<hbm>> -> memref<26x512xf32, #tpu.memory_space<hbm>>
      %dma_wait3A_41 = arith.constant 13 : i32
      %dma_wait3A_42 = tpu.memref_slice %arg2[%dma_wait3A_41, %mul3A_2] : memref<39x16384xf32, #tpu.memory_space<hbm>> -> memref<26x512xf32, #tpu.memory_space<hbm>>
      tpu.wait_dma2 semaphore(%run_scoped3A : memref<!tpu.dma_semaphore, #tpu.memory_space<semaphore_mem>>) src(%dma_wait3A_42 : memref<26x512xf32, #tpu.memory_space<hbm>>) dst(%arg6 : memref<26x512xf32, #tpu.memory_space<vmem>>)
      tpu.yield
    }) : () -> ()
    %scan3A = arith.constant 0 : i32
    %scan3A_6 = arith.constant 0 : i32
    %scan3A_7 = arith.constant 26 : i32
    %scan3A_8 = arith.addi %scan3A_6, %scan3A_7 : i32
    %scan3A_9 = arith.constant 1 : i32
    scf.for %scan3A_35 = %scan3A_6 to %scan3A_8 step %scan3A_9  : i32 {
      %mul3A_36 = arith.constant 1 : i32
      %mul3A_37 = arith.muli %scan3A_35, %mul3A_36 : i32
      %add3A_38 = arith.constant 0 : i32
      %add3A_39 = arith.addi %add3A_38, %mul3A_37 : i32
      %broadcast_in_dim3A = vector.broadcast %add3A_39 : i32 to vector<16xi32>
      %gather3A = tpu.vector_load_idx %arg9[%broadcast_in_dim3A] : memref<26xi32, #tpu.memory_space<vmem>>[vector<16xi32>], vector<16xi32>,
      %get3A = arith.index_cast %add3A_39 : i32 to index
      %get3A_40 = arith.constant 0 : index
      %get3A_41 = tpu.vector_load %arg6[%get3A, %get3A_40] {strides = array<i32>} : memref<26x512xf32, #tpu.memory_space<vmem>>, vector<16xf32>,
      %convert_element_type3A = arith.fptosi %get3A_41 : vector<16xf32> to vector<16xi32>
      %add3A_42 = arith.addi %convert_element_type3A, %gather3A : vector<16xi32>
      %mul3A_43 = arith.constant 512 : i32
      %mul3A_44 = arith.muli %add3A_39, %mul3A_43 : i32
      %add3A_45 = arith.constant 0 : i32
      %add3A_46 = arith.addi %mul3A_44, %add3A_45 : i32
      %swap3A = arith.index_cast %add3A_46 : i32 to index
      %swap3A_47 = tpu.vector_load %arg7[%swap3A] {strides = array<i32>} : memref<13312xi32, #tpu.memory_space<vmem>>, vector<16xi32>,
      tpu.vector_store %arg7[%swap3A], %add3A_42 {strides = array<i32>} : memref<13312xi32, #tpu.memory_space<vmem>>, vector<16xi32>,
      %get3A_48 = arith.index_cast %add3A_39 : i32 to index
      %get3A_49 = arith.constant 16 : index
      %get3A_50 = tpu.vector_load %arg6[%get3A_48, %get3A_49] {strides = array<i32>} : memref<26x512xf32, #tpu.memory_space<vmem>>, vector<16xf32>,
      %convert_element_type3A_51 = arith.fptosi %get3A_50 : vector<16xf32> to vector<16xi32>
      %add3A_52 = arith.addi %convert_element_type3A_51, %gather3A : vector<16xi32>
      %mul3A_53 = arith.constant 512 : i32
      %mul3A_54 = arith.muli %add3A_39, %mul3A_53 : i32
      %add3A_55 = arith.constant 16 : i32
      %add3A_56 = arith.addi %mul3A_54, %add3A_55 : i32
      %swap3A_57 = arith.index_cast %add3A_56 : i32 to index
      %swap3A_58 = tpu.vector_load %arg7[%swap3A_57] {strides = array<i32>} : memref<13312xi32, #tpu.memory_space<vmem>>, vector<16xi32>,
      tpu.vector_store %arg7[%swap3A_57], %add3A_52 {strides = array<i32>} : memref<13312xi32, #tpu.memory_space<vmem>>, vector<16xi32>,
      %get3A_59 = arith.index_cast %add3A_39 : i32 to index
      %get3A_60 = arith.constant 32 : index
      %get3A_61 = tpu.vector_load %arg6[%get3A_59, %get3A_60] {strides = array<i32>} : memref<26x512xf32, #tpu.memory_space<vmem>>, vector<16xf32>,
      %convert_element_type3A_62 = arith.fptosi %get3A_61 : vector<16xf32> to vector<16xi32>
      %add3A_63 = arith.addi %convert_element_type3A_62, %gather3A : vector<16xi32>
      %mul3A_64 = arith.constant 512 : i32
      %mul3A_65 = arith.muli %add3A_39, %mul3A_64 : i32
      %add3A_66 = arith.constant 32 : i32
      %add3A_67 = arith.addi %mul3A_65, %add3A_66 : i32
      %swap3A_68 = arith.index_cast %add3A_67 : i32 to index
      %swap3A_69 = tpu.vector_load %arg7[%swap3A_68] {strides = array<i32>} : memref<13312xi32, #tpu.memory_space<vmem>>, vector<16xi32>,
      tpu.vector_store %arg7[%swap3A_68], %add3A_63 {strides = array<i32>} : memref<13312xi32, #tpu.memory_space<vmem>>, vector<16xi32>,
      %get3A_70 = arith.index_cast %add3A_39 : i32 to index
      %get3A_71 = arith.constant 48 : index
      %get3A_72 = tpu.vector_load %arg6[%get3A_70, %get3A_71] {strides = array<i32>} : memref<26x512xf32, #tpu.memory_space<vmem>>, vector<16xf32>,
      %convert_element_type3A_73 = arith.fptosi %get3A_72 : vector<16xf32> to vector<16xi32>
      %add3A_74 = arith.addi %convert_element_type3A_73, %gather3A : vector<16xi32>
      %mul3A_75 = arith.constant 512 : i32
      %mul3A_76 = arith.muli %add3A_39, %mul3A_75 : i32
      %add3A_77 = arith.constant 48 : i32
      %add3A_78 = arith.addi %mul3A_76, %add3A_77 : i32
      %swap3A_79 = arith.index_cast %add3A_78 : i32 to index
      %swap3A_80 = tpu.vector_load %arg7[%swap3A_79] {strides = array<i32>} : memref<13312xi32, #tpu.memory_space<vmem>>, vector<16xi32>,
      tpu.vector_store %arg7[%swap3A_79], %add3A_74 {strides = array<i32>} : memref<13312xi32, #tpu.memory_space<vmem>>, vector<16xi32>,
      %get3A_81 = arith.index_cast %add3A_39 : i32 to index
      %get3A_82 = arith.constant 64 : index
      %get3A_83 = tpu.vector_load %arg6[%get3A_81, %get3A_82] {strides = array<i32>} : memref<26x512xf32, #tpu.memory_space<vmem>>, vector<16xf32>,
      %convert_element_type3A_84 = arith.fptosi %get3A_83 : vector<16xf32> to vector<16xi32>
      %add3A_85 = arith.addi %convert_element_type3A_84, %gather3A : vector<16xi32>
      %mul3A_86 = arith.constant 512 : i32
      %mul3A_87 = arith.muli %add3A_39, %mul3A_86 : i32
      %add3A_88 = arith.constant 64 : i32
      %add3A_89 = arith.addi %mul3A_87, %add3A_88 : i32
      %swap3A_90 = arith.index_cast %add3A_89 : i32 to index
      %swap3A_91 = tpu.vector_load %arg7[%swap3A_90] {strides = array<i32>} : memref<13312xi32, #tpu.memory_space<vmem>>, vector<16xi32>,
      tpu.vector_store %arg7[%swap3A_90], %add3A_85 {strides = array<i32>} : memref<13312xi32, #tpu.memory_space<vmem>>, vector<16xi32>,
      %get3A_92 = arith.index_cast %add3A_39 : i32 to index
      %get3A_93 = arith.constant 80 : index
      %get3A_94 = tpu.vector_load %arg6[%get3A_92, %get3A_93] {strides = array<i32>} : memref<26x512xf32, #tpu.memory_space<vmem>>, vector<16xf32>,
      %convert_element_type3A_95 = arith.fptosi %get3A_94 : vector<16xf32> to vector<16xi32>
      %add3A_96 = arith.addi %convert_element_type3A_95, %gather3A : vector<16xi32>
      %mul3A_97 = arith.constant 512 : i32
      %mul3A_98 = arith.muli %add3A_39, %mul3A_97 : i32
      %add3A_99 = arith.constant 80 : i32
      %add3A_100 = arith.addi %mul3A_98, %add3A_99 : i32
      %swap3A_101 = arith.index_cast %add3A_100 : i32 to index
      %swap3A_102 = tpu.vector_load %arg7[%swap3A_101] {strides = array<i32>} : memref<13312xi32, #tpu.memory_space<vmem>>, vector<16xi32>,
      tpu.vector_store %arg7[%swap3A_101], %add3A_96 {strides = array<i32>} : memref<13312xi32, #tpu.memory_space<vmem>>, vector<16xi32>,
      %get3A_103 = arith.index_cast %add3A_39 : i32 to index
      %get3A_104 = arith.constant 96 : index
      %get3A_105 = tpu.vector_load %arg6[%get3A_103, %get3A_104] {strides = array<i32>} : memref<26x512xf32, #tpu.memory_space<vmem>>, vector<16xf32>,
      %convert_element_type3A_106 = arith.fptosi %get3A_105 : vector<16xf32> to vector<16xi32>
      %add3A_107 = arith.addi %convert_element_type3A_106, %gather3A : vector<16xi32>
      %mul3A_108 = arith.constant 512 : i32
      %mul3A_109 = arith.muli %add3A_39, %mul3A_108 : i32
      %add3A_110 = arith.constant 96 : i32
      %add3A_111 = arith.addi %mul3A_109, %add3A_110 : i32
      %swap3A_112 = arith.index_cast %add3A_111 : i32 to index
      %swap3A_113 = tpu.vector_load %arg7[%swap3A_112] {strides = array<i32>} : memref<13312xi32, #tpu.memory_space<vmem>>, vector<16xi32>,
      tpu.vector_store %arg7[%swap3A_112], %add3A_107 {strides = array<i32>} : memref<13312xi32, #tpu.memory_space<vmem>>, vector<16xi32>,
      %get3A_114 = arith.index_cast %add3A_39 : i32 to index
      %get3A_115 = arith.constant 112 : index
      %get3A_116 = tpu.vector_load %arg6[%get3A_114, %get3A_115] {strides = array<i32>} : memref<26x512xf32, #tpu.memory_space<vmem>>, vector<16xf32>,
      %convert_element_type3A_117 = arith.fptosi %get3A_116 : vector<16xf32> to vector<16xi32>
      %add3A_118 = arith.addi %convert_element_type3A_117, %gather3A : vector<16xi32>
      %mul3A_119 = arith.constant 512 : i32
      %mul3A_120 = arith.muli %add3A_39, %mul3A_119 : i32
      %add3A_121 = arith.constant 112 : i32
      %add3A_122 = arith.addi %mul3A_120, %add3A_121 : i32
      %swap3A_123 = arith.index_cast %add3A_122 : i32 to index
      %swap3A_124 = tpu.vector_load %arg7[%swap3A_123] {strides = array<i32>} : memref<13312xi32, #tpu.memory_space<vmem>>, vector<16xi32>,
      tpu.vector_store %arg7[%swap3A_123], %add3A_118 {strides = array<i32>} : memref<13312xi32, #tpu.memory_space<vmem>>, vector<16xi32>,
      %get3A_125 = arith.index_cast %add3A_39 : i32 to index
      %get3A_126 = arith.constant 128 : index
      %get3A_127 = tpu.vector_load %arg6[%get3A_125, %get3A_126] {strides = array<i32>} : memref<26x512xf32, #tpu.memory_space<vmem>>, vector<16xf32>,
      %convert_element_type3A_128 = arith.fptosi %get3A_127 : vector<16xf32> to vector<16xi32>
      %add3A_129 = arith.addi %convert_element_type3A_128, %gather3A : vector<16xi32>
      %mul3A_130 = arith.constant 512 : i32
      %mul3A_131 = arith.muli %add3A_39, %mul3A_130 : i32
      %add3A_132 = arith.constant 128 : i32
      %add3A_133 = arith.addi %mul3A_131, %add3A_132 : i32
      %swap3A_134 = arith.index_cast %add3A_133 : i32 to index
      %swap3A_135 = tpu.vector_load %arg7[%swap3A_134] {strides = array<i32>} : memref<13312xi32, #tpu.memory_space<vmem>>, vector<16xi32>,
      tpu.vector_store %arg7[%swap3A_134], %add3A_129 {strides = array<i32>} : memref<13312xi32, #tpu.memory_space<vmem>>, vector<16xi32>,
      %get3A_136 = arith.index_cast %add3A_39 : i32 to index
      %get3A_137 = arith.constant 144 : index
      %get3A_138 = tpu.vector_load %arg6[%get3A_136, %get3A_137] {strides = array<i32>} : memref<26x512xf32, #tpu.memory_space<vmem>>, vector<16xf32>,
      %convert_element_type3A_139 = arith.fptosi %get3A_138 : vector<16xf32> to vector<16xi32>
      %add3A_140 = arith.addi %convert_element_type3A_139, %gather3A : vector<16xi32>
      %mul3A_141 = arith.constant 512 : i32
      %mul3A_142 = arith.muli %add3A_39, %mul3A_141 : i32
      %add3A_143 = arith.constant 144 : i32
      %add3A_144 = arith.addi %mul3A_142, %add3A_143 : i32
      %swap3A_145 = arith.index_cast %add3A_144 : i32 to index
      %swap3A_146 = tpu.vector_load %arg7[%swap3A_145] {strides = array<i32>} : memref<13312xi32, #tpu.memory_space<vmem>>, vector<16xi32>,
      tpu.vector_store %arg7[%swap3A_145], %add3A_140 {strides = array<i32>} : memref<13312xi32, #tpu.memory_space<vmem>>, vector<16xi32>,
      %get3A_147 = arith.index_cast %add3A_39 : i32 to index
      %get3A_148 = arith.constant 160 : index
      %get3A_149 = tpu.vector_load %arg6[%get3A_147, %get3A_148] {strides = array<i32>} : memref<26x512xf32, #tpu.memory_space<vmem>>, vector<16xf32>,
      %convert_element_type3A_150 = arith.fptosi %get3A_149 : vector<16xf32> to vector<16xi32>
      %add3A_151 = arith.addi %convert_element_type3A_150, %gather3A : vector<16xi32>
      %mul3A_152 = arith.constant 512 : i32
      %mul3A_153 = arith.muli %add3A_39, %mul3A_152 : i32
      %add3A_154 = arith.constant 160 : i32
      %add3A_155 = arith.addi %mul3A_153, %add3A_154 : i32
      %swap3A_156 = arith.index_cast %add3A_155 : i32 to index
      %swap3A_157 = tpu.vector_load %arg7[%swap3A_156] {strides = array<i32>} : memref<13312xi32, #tpu.memory_space<vmem>>, vector<16xi32>,
      tpu.vector_store %arg7[%swap3A_156], %add3A_151 {strides = array<i32>} : memref<13312xi32, #tpu.memory_space<vmem>>, vector<16xi32>,
      %get3A_158 = arith.index_cast %add3A_39 : i32 to index
      %get3A_159 = arith.constant 176 : index
      %get3A_160 = tpu.vector_load %arg6[%get3A_158, %get3A_159] {strides = array<i32>} : memref<26x512xf32, #tpu.memory_space<vmem>>, vector<16xf32>,
      %convert_element_type3A_161 = arith.fptosi %get3A_160 : vector<16xf32> to vector<16xi32>
      %add3A_162 = arith.addi %convert_element_type3A_161, %gather3A : vector<16xi32>
      %mul3A_163 = arith.constant 512 : i32
      %mul3A_164 = arith.muli %add3A_39, %mul3A_163 : i32
      %add3A_165 = arith.constant 176 : i32
      %add3A_166 = arith.addi %mul3A_164, %add3A_165 : i32
      %swap3A_167 = arith.index_cast %add3A_166 : i32 to index
      %swap3A_168 = tpu.vector_load %arg7[%swap3A_167] {strides = array<i32>} : memref<13312xi32, #tpu.memory_space<vmem>>, vector<16xi32>,
      tpu.vector_store %arg7[%swap3A_167], %add3A_162 {strides = array<i32>} : memref<13312xi32, #tpu.memory_space<vmem>>, vector<16xi32>,
      %get3A_169 = arith.index_cast %add3A_39 : i32 to index
      %get3A_170 = arith.constant 192 : index
      %get3A_171 = tpu.vector_load %arg6[%get3A_169, %get3A_170] {strides = array<i32>} : memref<26x512xf32, #tpu.memory_space<vmem>>, vector<16xf32>,
      %convert_element_type3A_172 = arith.fptosi %get3A_171 : vector<16xf32> to vector<16xi32>
      %add3A_173 = arith.addi %convert_element_type3A_172, %gather3A : vector<16xi32>
      %mul3A_174 = arith.constant 512 : i32
      %mul3A_175 = arith.muli %add3A_39, %mul3A_174 : i32
      %add3A_176 = arith.constant 192 : i32
      %add3A_177 = arith.addi %mul3A_175, %add3A_176 : i32
      %swap3A_178 = arith.index_cast %add3A_177 : i32 to index
      %swap3A_179 = tpu.vector_load %arg7[%swap3A_178] {strides = array<i32>} : memref<13312xi32, #tpu.memory_space<vmem>>, vector<16xi32>,
      tpu.vector_store %arg7[%swap3A_178], %add3A_173 {strides = array<i32>} : memref<13312xi32, #tpu.memory_space<vmem>>, vector<16xi32>,
      %get3A_180 = arith.index_cast %add3A_39 : i32 to index
      %get3A_181 = arith.constant 208 : index
      %get3A_182 = tpu.vector_load %arg6[%get3A_180, %get3A_181] {strides = array<i32>} : memref<26x512xf32, #tpu.memory_space<vmem>>, vector<16xf32>,
      %convert_element_type3A_183 = arith.fptosi %get3A_182 : vector<16xf32> to vector<16xi32>
      %add3A_184 = arith.addi %convert_element_type3A_183, %gather3A : vector<16xi32>
      %mul3A_185 = arith.constant 512 : i32
      %mul3A_186 = arith.muli %add3A_39, %mul3A_185 : i32
      %add3A_187 = arith.constant 208 : i32
      %add3A_188 = arith.addi %mul3A_186, %add3A_187 : i32
      %swap3A_189 = arith.index_cast %add3A_188 : i32 to index
      %swap3A_190 = tpu.vector_load %arg7[%swap3A_189] {strides = array<i32>} : memref<13312xi32, #tpu.memory_space<vmem>>, vector<16xi32>,
      tpu.vector_store %arg7[%swap3A_189], %add3A_184 {strides = array<i32>} : memref<13312xi32, #tpu.memory_space<vmem>>, vector<16xi32>,
      %get3A_191 = arith.index_cast %add3A_39 : i32 to index
      %get3A_192 = arith.constant 224 : index
      %get3A_193 = tpu.vector_load %arg6[%get3A_191, %get3A_192] {strides = array<i32>} : memref<26x512xf32, #tpu.memory_space<vmem>>, vector<16xf32>,
      %convert_element_type3A_194 = arith.fptosi %get3A_193 : vector<16xf32> to vector<16xi32>
      %add3A_195 = arith.addi %convert_element_type3A_194, %gather3A : vector<16xi32>
      %mul3A_196 = arith.constant 512 : i32
      %mul3A_197 = arith.muli %add3A_39, %mul3A_196 : i32
      %add3A_198 = arith.constant 224 : i32
      %add3A_199 = arith.addi %mul3A_197, %add3A_198 : i32
      %swap3A_200 = arith.index_cast %add3A_199 : i32 to index
      %swap3A_201 = tpu.vector_load %arg7[%swap3A_200] {strides = array<i32>} : memref<13312xi32, #tpu.memory_space<vmem>>, vector<16xi32>,
      tpu.vector_store %arg7[%swap3A_200], %add3A_195 {strides = array<i32>} : memref<13312xi32, #tpu.memory_space<vmem>>, vector<16xi32>,
      %get3A_202 = arith.index_cast %add3A_39 : i32 to index
      %get3A_203 = arith.constant 240 : index
      %get3A_204 = tpu.vector_load %arg6[%get3A_202, %get3A_203] {strides = array<i32>} : memref<26x512xf32, #tpu.memory_space<vmem>>, vector<16xf32>,
      %convert_element_type3A_205 = arith.fptosi %get3A_204 : vector<16xf32> to vector<16xi32>
      %add3A_206 = arith.addi %convert_element_type3A_205, %gather3A : vector<16xi32>
      %mul3A_207 = arith.constant 512 : i32
      %mul3A_208 = arith.muli %add3A_39, %mul3A_207 : i32
      %add3A_209 = arith.constant 240 : i32
      %add3A_210 = arith.addi %mul3A_208, %add3A_209 : i32
      %swap3A_211 = arith.index_cast %add3A_210 : i32 to index
      %swap3A_212 = tpu.vector_load %arg7[%swap3A_211] {strides = array<i32>} : memref<13312xi32, #tpu.memory_space<vmem>>, vector<16xi32>,
      tpu.vector_store %arg7[%swap3A_211], %add3A_206 {strides = array<i32>} : memref<13312xi32, #tpu.memory_space<vmem>>, vector<16xi32>,
      %get3A_213 = arith.index_cast %add3A_39 : i32 to index
      %get3A_214 = arith.constant 256 : index
      %get3A_215 = tpu.vector_load %arg6[%get3A_213, %get3A_214] {strides = array<i32>} : memref<26x512xf32, #tpu.memory_space<vmem>>, vector<16xf32>,
      %convert_element_type3A_216 = arith.fptosi %get3A_215 : vector<16xf32> to vector<16xi32>
      %add3A_217 = arith.addi %convert_element_type3A_216, %gather3A : vector<16xi32>
      %mul3A_218 = arith.constant 512 : i32
      %mul3A_219 = arith.muli %add3A_39, %mul3A_218 : i32
      %add3A_220 = arith.constant 256 : i32
      %add3A_221 = arith.addi %mul3A_219, %add3A_220 : i32
      %swap3A_222 = arith.index_cast %add3A_221 : i32 to index
      %swap3A_223 = tpu.vector_load %arg7[%swap3A_222] {strides = array<i32>} : memref<13312xi32, #tpu.memory_space<vmem>>, vector<16xi32>,
      tpu.vector_store %arg7[%swap3A_222], %add3A_217 {strides = array<i32>} : memref<13312xi32, #tpu.memory_space<vmem>>, vector<16xi32>,
      %get3A_224 = arith.index_cast %add3A_39 : i32 to index
      %get3A_225 = arith.constant 272 : index
      %get3A_226 = tpu.vector_load %arg6[%get3A_224, %get3A_225] {strides = array<i32>} : memref<26x512xf32, #tpu.memory_space<vmem>>, vector<16xf32>,
      %convert_element_type3A_227 = arith.fptosi %get3A_226 : vector<16xf32> to vector<16xi32>
      %add3A_228 = arith.addi %convert_element_type3A_227, %gather3A : vector<16xi32>
      %mul3A_229 = arith.constant 512 : i32
      %mul3A_230 = arith.muli %add3A_39, %mul3A_229 : i32
      %add3A_231 = arith.constant 272 : i32
      %add3A_232 = arith.addi %mul3A_230, %add3A_231 : i32
      %swap3A_233 = arith.index_cast %add3A_232 : i32 to index
      %swap3A_234 = tpu.vector_load %arg7[%swap3A_233] {strides = array<i32>} : memref<13312xi32, #tpu.memory_space<vmem>>, vector<16xi32>,
      tpu.vector_store %arg7[%swap3A_233], %add3A_228 {strides = array<i32>} : memref<13312xi32, #tpu.memory_space<vmem>>, vector<16xi32>,
      %get3A_235 = arith.index_cast %add3A_39 : i32 to index
      %get3A_236 = arith.constant 288 : index
      %get3A_237 = tpu.vector_load %arg6[%get3A_235, %get3A_236] {strides = array<i32>} : memref<26x512xf32, #tpu.memory_space<vmem>>, vector<16xf32>,
      %convert_element_type3A_238 = arith.fptosi %get3A_237 : vector<16xf32> to vector<16xi32>
      %add3A_239 = arith.addi %convert_element_type3A_238, %gather3A : vector<16xi32>
      %mul3A_240 = arith.constant 512 : i32
      %mul3A_241 = arith.muli %add3A_39, %mul3A_240 : i32
      %add3A_242 = arith.constant 288 : i32
      %add3A_243 = arith.addi %mul3A_241, %add3A_242 : i32
      %swap3A_244 = arith.index_cast %add3A_243 : i32 to index
      %swap3A_245 = tpu.vector_load %arg7[%swap3A_244] {strides = array<i32>} : memref<13312xi32, #tpu.memory_space<vmem>>, vector<16xi32>,
      tpu.vector_store %arg7[%swap3A_244], %add3A_239 {strides = array<i32>} : memref<13312xi32, #tpu.memory_space<vmem>>, vector<16xi32>,
      %get3A_246 = arith.index_cast %add3A_39 : i32 to index
      %get3A_247 = arith.constant 304 : index
      %get3A_248 = tpu.vector_load %arg6[%get3A_246, %get3A_247] {strides = array<i32>} : memref<26x512xf32, #tpu.memory_space<vmem>>, vector<16xf32>,
      %convert_element_type3A_249 = arith.fptosi %get3A_248 : vector<16xf32> to vector<16xi32>
      %add3A_250 = arith.addi %convert_element_type3A_249, %gather3A : vector<16xi32>
      %mul3A_251 = arith.constant 512 : i32
      %mul3A_252 = arith.muli %add3A_39, %mul3A_251 : i32
      %add3A_253 = arith.constant 304 : i32
      %add3A_254 = arith.addi %mul3A_252, %add3A_253 : i32
      %swap3A_255 = arith.index_cast %add3A_254 : i32 to index
      %swap3A_256 = tpu.vector_load %arg7[%swap3A_255] {strides = array<i32>} : memref<13312xi32, #tpu.memory_space<vmem>>, vector<16xi32>,
      tpu.vector_store %arg7[%swap3A_255], %add3A_250 {strides = array<i32>} : memref<13312xi32, #tpu.memory_space<vmem>>, vector<16xi32>,
      %get3A_257 = arith.index_cast %add3A_39 : i32 to index
      %get3A_258 = arith.constant 320 : index
      %get3A_259 = tpu.vector_load %arg6[%get3A_257, %get3A_258] {strides = array<i32>} : memref<26x512xf32, #tpu.memory_space<vmem>>, vector<16xf32>,
      %convert_element_type3A_260 = arith.fptosi %get3A_259 : vector<16xf32> to vector<16xi32>
      %add3A_261 = arith.addi %convert_element_type3A_260, %gather3A : vector<16xi32>
      %mul3A_262 = arith.constant 512 : i32
      %mul3A_263 = arith.muli %add3A_39, %mul3A_262 : i32
      %add3A_264 = arith.constant 320 : i32
      %add3A_265 = arith.addi %mul3A_263, %add3A_264 : i32
      %swap3A_266 = arith.index_cast %add3A_265 : i32 to index
      %swap3A_267 = tpu.vector_load %arg7[%swap3A_266] {strides = array<i32>} : memref<13312xi32, #tpu.memory_space<vmem>>, vector<16xi32>,
      tpu.vector_store %arg7[%swap3A_266], %add3A_261 {strides = array<i32>} : memref<13312xi32, #tpu.memory_space<vmem>>, vector<16xi32>,
      %get3A_268 = arith.index_cast %add3A_39 : i32 to index
      %get3A_269 = arith.constant 336 : index
      %get3A_270 = tpu.vector_load %arg6[%get3A_268, %get3A_269] {strides = array<i32>} : memref<26x512xf32, #tpu.memory_space<vmem>>, vector<16xf32>,
      %convert_element_type3A_271 = arith.fptosi %get3A_270 : vector<16xf32> to vector<16xi32>
      %add3A_272 = arith.addi %convert_element_type3A_271, %gather3A : vector<16xi32>
      %mul3A_273 = arith.constant 512 : i32
      %mul3A_274 = arith.muli %add3A_39, %mul3A_273 : i32
      %add3A_275 = arith.constant 336 : i32
      %add3A_276 = arith.addi %mul3A_274, %add3A_275 : i32
      %swap3A_277 = arith.index_cast %add3A_276 : i32 to index
      %swap3A_278 = tpu.vector_load %arg7[%swap3A_277] {strides = array<i32>} : memref<13312xi32, #tpu.memory_space<vmem>>, vector<16xi32>,
      tpu.vector_store %arg7[%swap3A_277], %add3A_272 {strides = array<i32>} : memref<13312xi32, #tpu.memory_space<vmem>>, vector<16xi32>,
      %get3A_279 = arith.index_cast %add3A_39 : i32 to index
      %get3A_280 = arith.constant 352 : index
      %get3A_281 = tpu.vector_load %arg6[%get3A_279, %get3A_280] {strides = array<i32>} : memref<26x512xf32, #tpu.memory_space<vmem>>, vector<16xf32>,
      %convert_element_type3A_282 = arith.fptosi %get3A_281 : vector<16xf32> to vector<16xi32>
      %add3A_283 = arith.addi %convert_element_type3A_282, %gather3A : vector<16xi32>
      %mul3A_284 = arith.constant 512 : i32
      %mul3A_285 = arith.muli %add3A_39, %mul3A_284 : i32
      %add3A_286 = arith.constant 352 : i32
      %add3A_287 = arith.addi %mul3A_285, %add3A_286 : i32
      %swap3A_288 = arith.index_cast %add3A_287 : i32 to index
      %swap3A_289 = tpu.vector_load %arg7[%swap3A_288] {strides = array<i32>} : memref<13312xi32, #tpu.memory_space<vmem>>, vector<16xi32>,
      tpu.vector_store %arg7[%swap3A_288], %add3A_283 {strides = array<i32>} : memref<13312xi32, #tpu.memory_space<vmem>>, vector<16xi32>,
      %get3A_290 = arith.index_cast %add3A_39 : i32 to index
      %get3A_291 = arith.constant 368 : index
      %get3A_292 = tpu.vector_load %arg6[%get3A_290, %get3A_291] {strides = array<i32>} : memref<26x512xf32, #tpu.memory_space<vmem>>, vector<16xf32>,
      %convert_element_type3A_293 = arith.fptosi %get3A_292 : vector<16xf32> to vector<16xi32>
      %add3A_294 = arith.addi %convert_element_type3A_293, %gather3A : vector<16xi32>
      %mul3A_295 = arith.constant 512 : i32
      %mul3A_296 = arith.muli %add3A_39, %mul3A_295 : i32
      %add3A_297 = arith.constant 368 : i32
      %add3A_298 = arith.addi %mul3A_296, %add3A_297 : i32
      %swap3A_299 = arith.index_cast %add3A_298 : i32 to index
      %swap3A_300 = tpu.vector_load %arg7[%swap3A_299] {strides = array<i32>} : memref<13312xi32, #tpu.memory_space<vmem>>, vector<16xi32>,
      tpu.vector_store %arg7[%swap3A_299], %add3A_294 {strides = array<i32>} : memref<13312xi32, #tpu.memory_space<vmem>>, vector<16xi32>,
      %get3A_301 = arith.index_cast %add3A_39 : i32 to index
      %get3A_302 = arith.constant 384 : index
      %get3A_303 = tpu.vector_load %arg6[%get3A_301, %get3A_302] {strides = array<i32>} : memref<26x512xf32, #tpu.memory_space<vmem>>, vector<16xf32>,
      %convert_element_type3A_304 = arith.fptosi %get3A_303 : vector<16xf32> to vector<16xi32>
      %add3A_305 = arith.addi %convert_element_type3A_304, %gather3A : vector<16xi32>
      %mul3A_306 = arith.constant 512 : i32
      %mul3A_307 = arith.muli %add3A_39, %mul3A_306 : i32
      %add3A_308 = arith.constant 384 : i32
      %add3A_309 = arith.addi %mul3A_307, %add3A_308 : i32
      %swap3A_310 = arith.index_cast %add3A_309 : i32 to index
      %swap3A_311 = tpu.vector_load %arg7[%swap3A_310] {strides = array<i32>} : memref<13312xi32, #tpu.memory_space<vmem>>, vector<16xi32>,
      tpu.vector_store %arg7[%swap3A_310], %add3A_305 {strides = array<i32>} : memref<13312xi32, #tpu.memory_space<vmem>>, vector<16xi32>,
      %get3A_312 = arith.index_cast %add3A_39 : i32 to index
      %get3A_313 = arith.constant 400 : index
      %get3A_314 = tpu.vector_load %arg6[%get3A_312, %get3A_313] {strides = array<i32>} : memref<26x512xf32, #tpu.memory_space<vmem>>, vector<16xf32>,
      %convert_element_type3A_315 = arith.fptosi %get3A_314 : vector<16xf32> to vector<16xi32>
      %add3A_316 = arith.addi %convert_element_type3A_315, %gather3A : vector<16xi32>
      %mul3A_317 = arith.constant 512 : i32
      %mul3A_318 = arith.muli %add3A_39, %mul3A_317 : i32
      %add3A_319 = arith.constant 400 : i32
      %add3A_320 = arith.addi %mul3A_318, %add3A_319 : i32
      %swap3A_321 = arith.index_cast %add3A_320 : i32 to index
      %swap3A_322 = tpu.vector_load %arg7[%swap3A_321] {strides = array<i32>} : memref<13312xi32, #tpu.memory_space<vmem>>, vector<16xi32>,
      tpu.vector_store %arg7[%swap3A_321], %add3A_316 {strides = array<i32>} : memref<13312xi32, #tpu.memory_space<vmem>>, vector<16xi32>,
      %get3A_323 = arith.index_cast %add3A_39 : i32 to index
      %get3A_324 = arith.constant 416 : index
      %get3A_325 = tpu.vector_load %arg6[%get3A_323, %get3A_324] {strides = array<i32>} : memref<26x512xf32, #tpu.memory_space<vmem>>, vector<16xf32>,
      %convert_element_type3A_326 = arith.fptosi %get3A_325 : vector<16xf32> to vector<16xi32>
      %add3A_327 = arith.addi %convert_element_type3A_326, %gather3A : vector<16xi32>
      %mul3A_328 = arith.constant 512 : i32
      %mul3A_329 = arith.muli %add3A_39, %mul3A_328 : i32
      %add3A_330 = arith.constant 416 : i32
      %add3A_331 = arith.addi %mul3A_329, %add3A_330 : i32
      %swap3A_332 = arith.index_cast %add3A_331 : i32 to index
      %swap3A_333 = tpu.vector_load %arg7[%swap3A_332] {strides = array<i32>} : memref<13312xi32, #tpu.memory_space<vmem>>, vector<16xi32>,
      tpu.vector_store %arg7[%swap3A_332], %add3A_327 {strides = array<i32>} : memref<13312xi32, #tpu.memory_space<vmem>>, vector<16xi32>,
      %get3A_334 = arith.index_cast %add3A_39 : i32 to index
      %get3A_335 = arith.constant 432 : index
      %get3A_336 = tpu.vector_load %arg6[%get3A_334, %get3A_335] {strides = array<i32>} : memref<26x512xf32, #tpu.memory_space<vmem>>, vector<16xf32>,
      %convert_element_type3A_337 = arith.fptosi %get3A_336 : vector<16xf32> to vector<16xi32>
      %add3A_338 = arith.addi %convert_element_type3A_337, %gather3A : vector<16xi32>
      %mul3A_339 = arith.constant 512 : i32
      %mul3A_340 = arith.muli %add3A_39, %mul3A_339 : i32
      %add3A_341 = arith.constant 432 : i32
      %add3A_342 = arith.addi %mul3A_340, %add3A_341 : i32
      %swap3A_343 = arith.index_cast %add3A_342 : i32 to index
      %swap3A_344 = tpu.vector_load %arg7[%swap3A_343] {strides = array<i32>} : memref<13312xi32, #tpu.memory_space<vmem>>, vector<16xi32>,
      tpu.vector_store %arg7[%swap3A_343], %add3A_338 {strides = array<i32>} : memref<13312xi32, #tpu.memory_space<vmem>>, vector<16xi32>,
      %get3A_345 = arith.index_cast %add3A_39 : i32 to index
      %get3A_346 = arith.constant 448 : index
      %get3A_347 = tpu.vector_load %arg6[%get3A_345, %get3A_346] {strides = array<i32>} : memref<26x512xf32, #tpu.memory_space<vmem>>, vector<16xf32>,
      %convert_element_type3A_348 = arith.fptosi %get3A_347 : vector<16xf32> to vector<16xi32>
      %add3A_349 = arith.addi %convert_element_type3A_348, %gather3A : vector<16xi32>
      %mul3A_350 = arith.constant 512 : i32
      %mul3A_351 = arith.muli %add3A_39, %mul3A_350 : i32
      %add3A_352 = arith.constant 448 : i32
      %add3A_353 = arith.addi %mul3A_351, %add3A_352 : i32
      %swap3A_354 = arith.index_cast %add3A_353 : i32 to index
      %swap3A_355 = tpu.vector_load %arg7[%swap3A_354] {strides = array<i32>} : memref<13312xi32, #tpu.memory_space<vmem>>, vector<16xi32>,
      tpu.vector_store %arg7[%swap3A_354], %add3A_349 {strides = array<i32>} : memref<13312xi32, #tpu.memory_space<vmem>>, vector<16xi32>,
      %get3A_356 = arith.index_cast %add3A_39 : i32 to index
      %get3A_357 = arith.constant 464 : index
      %get3A_358 = tpu.vector_load %arg6[%get3A_356, %get3A_357] {strides = array<i32>} : memref<26x512xf32, #tpu.memory_space<vmem>>, vector<16xf32>,
      %convert_element_type3A_359 = arith.fptosi %get3A_358 : vector<16xf32> to vector<16xi32>
      %add3A_360 = arith.addi %convert_element_type3A_359, %gather3A : vector<16xi32>
      %mul3A_361 = arith.constant 512 : i32
      %mul3A_362 = arith.muli %add3A_39, %mul3A_361 : i32
      %add3A_363 = arith.constant 464 : i32
      %add3A_364 = arith.addi %mul3A_362, %add3A_363 : i32
      %swap3A_365 = arith.index_cast %add3A_364 : i32 to index
      %swap3A_366 = tpu.vector_load %arg7[%swap3A_365] {strides = array<i32>} : memref<13312xi32, #tpu.memory_space<vmem>>, vector<16xi32>,
      tpu.vector_store %arg7[%swap3A_365], %add3A_360 {strides = array<i32>} : memref<13312xi32, #tpu.memory_space<vmem>>, vector<16xi32>,
      %get3A_367 = arith.index_cast %add3A_39 : i32 to index
      %get3A_368 = arith.constant 480 : index
      %get3A_369 = tpu.vector_load %arg6[%get3A_367, %get3A_368] {strides = array<i32>} : memref<26x512xf32, #tpu.memory_space<vmem>>, vector<16xf32>,
      %convert_element_type3A_370 = arith.fptosi %get3A_369 : vector<16xf32> to vector<16xi32>
      %add3A_371 = arith.addi %convert_element_type3A_370, %gather3A : vector<16xi32>
      %mul3A_372 = arith.constant 512 : i32
      %mul3A_373 = arith.muli %add3A_39, %mul3A_372 : i32
      %add3A_374 = arith.constant 480 : i32
      %add3A_375 = arith.addi %mul3A_373, %add3A_374 : i32
      %swap3A_376 = arith.index_cast %add3A_375 : i32 to index
      %swap3A_377 = tpu.vector_load %arg7[%swap3A_376] {strides = array<i32>} : memref<13312xi32, #tpu.memory_space<vmem>>, vector<16xi32>,
      tpu.vector_store %arg7[%swap3A_376], %add3A_371 {strides = array<i32>} : memref<13312xi32, #tpu.memory_space<vmem>>, vector<16xi32>,
      %get3A_378 = arith.index_cast %add3A_39 : i32 to index
      %get3A_379 = arith.constant 496 : index
      %get3A_380 = tpu.vector_load %arg6[%get3A_378, %get3A_379] {strides = array<i32>} : memref<26x512xf32, #tpu.memory_space<vmem>>, vector<16xf32>,
      %convert_element_type3A_381 = arith.fptosi %get3A_380 : vector<16xf32> to vector<16xi32>
      %add3A_382 = arith.addi %convert_element_type3A_381, %gather3A : vector<16xi32>
      %mul3A_383 = arith.constant 512 : i32
      %mul3A_384 = arith.muli %add3A_39, %mul3A_383 : i32
      %add3A_385 = arith.constant 496 : i32
      %add3A_386 = arith.addi %mul3A_384, %add3A_385 : i32
      %swap3A_387 = arith.index_cast %add3A_386 : i32 to index
      %swap3A_388 = tpu.vector_load %arg7[%swap3A_387] {strides = array<i32>} : memref<13312xi32, #tpu.memory_space<vmem>>, vector<16xi32>,
      tpu.vector_store %arg7[%swap3A_387], %add3A_382 {strides = array<i32>} : memref<13312xi32, #tpu.memory_space<vmem>>, vector<16xi32>,
      %mul3A_389 = arith.constant 512 : i32
      %mul3A_390 = arith.muli %add3A_39, %mul3A_389 : i32
      %mul3A_391 = arith.constant 512 : i32
      %mul3A_392 = arith.muli %add3A_39, %mul3A_391 : i32
      %dma_start3A_393 = tpu.memref_slice %arg8[%mul3A_392] : memref<13312xf32, #tpu.memory_space<vmem>> -> memref<512xf32, #tpu.memory_space<vmem>>
      %dma_start3A_394 = tpu.memref_slice %arg7[%mul3A_390] : memref<13312xi32, #tpu.memory_space<vmem>> -> memref<512xi32, #tpu.memory_space<vmem>>
      %dma_start3A_395 = arith.constant 0 : i32
      %dma_start3A_396 = tpu.memref_slice %arg3[%scan3A, %dma_start3A_395] : memref<1x2600000xf32, #tpu.memory_space<hbm>> -> memref<1x2600000xf32, #tpu.memory_space<hbm>>
      %dma_start3A_397 = tpu.memref_squeeze %dma_start3A_396 : memref<1x2600000xf32, #tpu.memory_space<hbm>> -> memref<2600000xf32, #tpu.memory_space<hbm>>
      %dma_start3A_398 = arith.constant 0 : i32
      %dma_start3A_399 = tpu.memref_slice %dma_start3A_397[%dma_start3A_398] : memref<2600000xf32, #tpu.memory_space<hbm>> -> memref<2600000xf32, #tpu.memory_space<hbm>>
      tpu.enqueue_indirect_dma source(%dma_start3A_399 : memref<2600000xf32, #tpu.memory_space<hbm>>) target(%dma_start3A_393 : memref<512xf32, #tpu.memory_space<vmem>>) offsets(%dma_start3A_394 : memref<512xi32, #tpu.memory_space<vmem>>) semaphore(%arg10 : memref<!tpu.dma_semaphore, #tpu.memory_space<semaphore_mem>>)
    }
    %scan3A_10 = arith.constant 26 : i32
    %dma_wait3A = arith.constant 0 : i32
    %dma_wait3A_11 = arith.constant 0 : i32
    %dma_wait3A_12 = tpu.memref_slice %arg3[%dma_wait3A, %dma_wait3A_11] : memref<1x2600000xf32, #tpu.memory_space<hbm>> -> memref<1x2600000xf32, #tpu.memory_space<hbm>>
    %dma_wait3A_13 = tpu.memref_squeeze %dma_wait3A_12 : memref<1x2600000xf32, #tpu.memory_space<hbm>> -> memref<2600000xf32, #tpu.memory_space<hbm>>
    %dma_wait3A_14 = arith.constant 0 : i32
    %dma_wait3A_15 = tpu.memref_slice %dma_wait3A_13[%dma_wait3A_14] : memref<2600000xf32, #tpu.memory_space<hbm>> -> memref<13312xf32, #tpu.memory_space<hbm>>
    %dma_wait3A_16 = arith.constant 0 : i32
    %dma_wait3A_17 = tpu.memref_slice %arg3[%dma_wait3A, %dma_wait3A_16] : memref<1x2600000xf32, #tpu.memory_space<hbm>> -> memref<1x2600000xf32, #tpu.memory_space<hbm>>
    %dma_wait3A_18 = tpu.memref_squeeze %dma_wait3A_17 : memref<1x2600000xf32, #tpu.memory_space<hbm>> -> memref<2600000xf32, #tpu.memory_space<hbm>>
    %dma_wait3A_19 = arith.constant 0 : i32
    %dma_wait3A_20 = tpu.memref_slice %dma_wait3A_18[%dma_wait3A_19] : memref<2600000xf32, #tpu.memory_space<hbm>> -> memref<13312xf32, #tpu.memory_space<hbm>>
    tpu.wait_dma2 semaphore(%arg10 : memref<!tpu.dma_semaphore, #tpu.memory_space<semaphore_mem>>) src(%dma_wait3A_20 : memref<13312xf32, #tpu.memory_space<hbm>>) dst(%arg8 : memref<13312xf32, #tpu.memory_space<vmem>>)
    %scan3A_21 = arith.constant 0 : i32
    %scan3A_22 = arith.constant 26 : i32
    %scan3A_23 = arith.addi %scan3A_21, %scan3A_22 : i32
    %scan3A_24 = arith.constant 1 : i32
    scf.for %scan3A_35 = %scan3A_21 to %scan3A_23 step %scan3A_24  : i32 {
      %mul3A_36 = arith.constant 1 : i32
      %mul3A_37 = arith.muli %scan3A_35, %mul3A_36 : i32
      %add3A_38 = arith.constant 0 : i32
      %add3A_39 = arith.addi %add3A_38, %mul3A_37 : i32
      %mul3A_40 = arith.constant 512 : i32
      %mul3A_41 = arith.muli %add3A_39, %mul3A_40 : i32
      %add3A_42 = arith.constant 0 : i32
      %add3A_43 = arith.addi %mul3A_41, %add3A_42 : i32
      %get3A = arith.index_cast %add3A_43 : i32 to index
      %get3A_44 = tpu.vector_load %arg8[%get3A] {strides = array<i32>} : memref<13312xf32, #tpu.memory_space<vmem>>, vector<16xf32>,
      %swap3A = arith.index_cast %add3A_39 : i32 to index
      %swap3A_45 = arith.constant 0 : index
      %swap3A_46 = tpu.vector_load %arg6[%swap3A, %swap3A_45] {strides = array<i32>} : memref<26x512xf32, #tpu.memory_space<vmem>>, vector<16xf32>,
      tpu.vector_store %arg6[%swap3A, %swap3A_45], %get3A_44 {strides = array<i32>} : memref<26x512xf32, #tpu.memory_space<vmem>>, vector<16xf32>,
      %mul3A_47 = arith.constant 512 : i32
      %mul3A_48 = arith.muli %add3A_39, %mul3A_47 : i32
      %add3A_49 = arith.constant 16 : i32
      %add3A_50 = arith.addi %mul3A_48, %add3A_49 : i32
      %get3A_51 = arith.index_cast %add3A_50 : i32 to index
      %get3A_52 = tpu.vector_load %arg8[%get3A_51] {strides = array<i32>} : memref<13312xf32, #tpu.memory_space<vmem>>, vector<16xf32>,
      %swap3A_53 = arith.index_cast %add3A_39 : i32 to index
      %swap3A_54 = arith.constant 16 : index
      %swap3A_55 = tpu.vector_load %arg6[%swap3A_53, %swap3A_54] {strides = array<i32>} : memref<26x512xf32, #tpu.memory_space<vmem>>, vector<16xf32>,
      tpu.vector_store %arg6[%swap3A_53, %swap3A_54], %get3A_52 {strides = array<i32>} : memref<26x512xf32, #tpu.memory_space<vmem>>, vector<16xf32>,
      %mul3A_56 = arith.constant 512 : i32
      %mul3A_57 = arith.muli %add3A_39, %mul3A_56 : i32
      %add3A_58 = arith.constant 32 : i32
      %add3A_59 = arith.addi %mul3A_57, %add3A_58 : i32
      %get3A_60 = arith.index_cast %add3A_59 : i32 to index
      %get3A_61 = tpu.vector_load %arg8[%get3A_60] {strides = array<i32>} : memref<13312xf32, #tpu.memory_space<vmem>>, vector<16xf32>,
      %swap3A_62 = arith.index_cast %add3A_39 : i32 to index
      %swap3A_63 = arith.constant 32 : index
      %swap3A_64 = tpu.vector_load %arg6[%swap3A_62, %swap3A_63] {strides = array<i32>} : memref<26x512xf32, #tpu.memory_space<vmem>>, vector<16xf32>,
      tpu.vector_store %arg6[%swap3A_62, %swap3A_63], %get3A_61 {strides = array<i32>} : memref<26x512xf32, #tpu.memory_space<vmem>>, vector<16xf32>,
      %mul3A_65 = arith.constant 512 : i32
      %mul3A_66 = arith.muli %add3A_39, %mul3A_65 : i32
      %add3A_67 = arith.constant 48 : i32
      %add3A_68 = arith.addi %mul3A_66, %add3A_67 : i32
      %get3A_69 = arith.index_cast %add3A_68 : i32 to index
      %get3A_70 = tpu.vector_load %arg8[%get3A_69] {strides = array<i32>} : memref<13312xf32, #tpu.memory_space<vmem>>, vector<16xf32>,
      %swap3A_71 = arith.index_cast %add3A_39 : i32 to index
      %swap3A_72 = arith.constant 48 : index
      %swap3A_73 = tpu.vector_load %arg6[%swap3A_71, %swap3A_72] {strides = array<i32>} : memref<26x512xf32, #tpu.memory_space<vmem>>, vector<16xf32>,
      tpu.vector_store %arg6[%swap3A_71, %swap3A_72], %get3A_70 {strides = array<i32>} : memref<26x512xf32, #tpu.memory_space<vmem>>, vector<16xf32>,
      %mul3A_74 = arith.constant 512 : i32
      %mul3A_75 = arith.muli %add3A_39, %mul3A_74 : i32
      %add3A_76 = arith.constant 64 : i32
      %add3A_77 = arith.addi %mul3A_75, %add3A_76 : i32
      %get3A_78 = arith.index_cast %add3A_77 : i32 to index
      %get3A_79 = tpu.vector_load %arg8[%get3A_78] {strides = array<i32>} : memref<13312xf32, #tpu.memory_space<vmem>>, vector<16xf32>,
      %swap3A_80 = arith.index_cast %add3A_39 : i32 to index
      %swap3A_81 = arith.constant 64 : index
      %swap3A_82 = tpu.vector_load %arg6[%swap3A_80, %swap3A_81] {strides = array<i32>} : memref<26x512xf32, #tpu.memory_space<vmem>>, vector<16xf32>,
      tpu.vector_store %arg6[%swap3A_80, %swap3A_81], %get3A_79 {strides = array<i32>} : memref<26x512xf32, #tpu.memory_space<vmem>>, vector<16xf32>,
      %mul3A_83 = arith.constant 512 : i32
      %mul3A_84 = arith.muli %add3A_39, %mul3A_83 : i32
      %add3A_85 = arith.constant 80 : i32
      %add3A_86 = arith.addi %mul3A_84, %add3A_85 : i32
      %get3A_87 = arith.index_cast %add3A_86 : i32 to index
      %get3A_88 = tpu.vector_load %arg8[%get3A_87] {strides = array<i32>} : memref<13312xf32, #tpu.memory_space<vmem>>, vector<16xf32>,
      %swap3A_89 = arith.index_cast %add3A_39 : i32 to index
      %swap3A_90 = arith.constant 80 : index
      %swap3A_91 = tpu.vector_load %arg6[%swap3A_89, %swap3A_90] {strides = array<i32>} : memref<26x512xf32, #tpu.memory_space<vmem>>, vector<16xf32>,
      tpu.vector_store %arg6[%swap3A_89, %swap3A_90], %get3A_88 {strides = array<i32>} : memref<26x512xf32, #tpu.memory_space<vmem>>, vector<16xf32>,
      %mul3A_92 = arith.constant 512 : i32
      %mul3A_93 = arith.muli %add3A_39, %mul3A_92 : i32
      %add3A_94 = arith.constant 96 : i32
      %add3A_95 = arith.addi %mul3A_93, %add3A_94 : i32
      %get3A_96 = arith.index_cast %add3A_95 : i32 to index
      %get3A_97 = tpu.vector_load %arg8[%get3A_96] {strides = array<i32>} : memref<13312xf32, #tpu.memory_space<vmem>>, vector<16xf32>,
      %swap3A_98 = arith.index_cast %add3A_39 : i32 to index
      %swap3A_99 = arith.constant 96 : index
      %swap3A_100 = tpu.vector_load %arg6[%swap3A_98, %swap3A_99] {strides = array<i32>} : memref<26x512xf32, #tpu.memory_space<vmem>>, vector<16xf32>,
      tpu.vector_store %arg6[%swap3A_98, %swap3A_99], %get3A_97 {strides = array<i32>} : memref<26x512xf32, #tpu.memory_space<vmem>>, vector<16xf32>,
      %mul3A_101 = arith.constant 512 : i32
      %mul3A_102 = arith.muli %add3A_39, %mul3A_101 : i32
      %add3A_103 = arith.constant 112 : i32
      %add3A_104 = arith.addi %mul3A_102, %add3A_103 : i32
      %get3A_105 = arith.index_cast %add3A_104 : i32 to index
      %get3A_106 = tpu.vector_load %arg8[%get3A_105] {strides = array<i32>} : memref<13312xf32, #tpu.memory_space<vmem>>, vector<16xf32>,
      %swap3A_107 = arith.index_cast %add3A_39 : i32 to index
      %swap3A_108 = arith.constant 112 : index
      %swap3A_109 = tpu.vector_load %arg6[%swap3A_107, %swap3A_108] {strides = array<i32>} : memref<26x512xf32, #tpu.memory_space<vmem>>, vector<16xf32>,
      tpu.vector_store %arg6[%swap3A_107, %swap3A_108], %get3A_106 {strides = array<i32>} : memref<26x512xf32, #tpu.memory_space<vmem>>, vector<16xf32>,
      %mul3A_110 = arith.constant 512 : i32
      %mul3A_111 = arith.muli %add3A_39, %mul3A_110 : i32
      %add3A_112 = arith.constant 128 : i32
      %add3A_113 = arith.addi %mul3A_111, %add3A_112 : i32
      %get3A_114 = arith.index_cast %add3A_113 : i32 to index
      %get3A_115 = tpu.vector_load %arg8[%get3A_114] {strides = array<i32>} : memref<13312xf32, #tpu.memory_space<vmem>>, vector<16xf32>,
      %swap3A_116 = arith.index_cast %add3A_39 : i32 to index
      %swap3A_117 = arith.constant 128 : index
      %swap3A_118 = tpu.vector_load %arg6[%swap3A_116, %swap3A_117] {strides = array<i32>} : memref<26x512xf32, #tpu.memory_space<vmem>>, vector<16xf32>,
      tpu.vector_store %arg6[%swap3A_116, %swap3A_117], %get3A_115 {strides = array<i32>} : memref<26x512xf32, #tpu.memory_space<vmem>>, vector<16xf32>,
      %mul3A_119 = arith.constant 512 : i32
      %mul3A_120 = arith.muli %add3A_39, %mul3A_119 : i32
      %add3A_121 = arith.constant 144 : i32
      %add3A_122 = arith.addi %mul3A_120, %add3A_121 : i32
      %get3A_123 = arith.index_cast %add3A_122 : i32 to index
      %get3A_124 = tpu.vector_load %arg8[%get3A_123] {strides = array<i32>} : memref<13312xf32, #tpu.memory_space<vmem>>, vector<16xf32>,
      %swap3A_125 = arith.index_cast %add3A_39 : i32 to index
      %swap3A_126 = arith.constant 144 : index
      %swap3A_127 = tpu.vector_load %arg6[%swap3A_125, %swap3A_126] {strides = array<i32>} : memref<26x512xf32, #tpu.memory_space<vmem>>, vector<16xf32>,
      tpu.vector_store %arg6[%swap3A_125, %swap3A_126], %get3A_124 {strides = array<i32>} : memref<26x512xf32, #tpu.memory_space<vmem>>, vector<16xf32>,
      %mul3A_128 = arith.constant 512 : i32
      %mul3A_129 = arith.muli %add3A_39, %mul3A_128 : i32
      %add3A_130 = arith.constant 160 : i32
      %add3A_131 = arith.addi %mul3A_129, %add3A_130 : i32
      %get3A_132 = arith.index_cast %add3A_131 : i32 to index
      %get3A_133 = tpu.vector_load %arg8[%get3A_132] {strides = array<i32>} : memref<13312xf32, #tpu.memory_space<vmem>>, vector<16xf32>,
      %swap3A_134 = arith.index_cast %add3A_39 : i32 to index
      %swap3A_135 = arith.constant 160 : index
      %swap3A_136 = tpu.vector_load %arg6[%swap3A_134, %swap3A_135] {strides = array<i32>} : memref<26x512xf32, #tpu.memory_space<vmem>>, vector<16xf32>,
      tpu.vector_store %arg6[%swap3A_134, %swap3A_135], %get3A_133 {strides = array<i32>} : memref<26x512xf32, #tpu.memory_space<vmem>>, vector<16xf32>,
      %mul3A_137 = arith.constant 512 : i32
      %mul3A_138 = arith.muli %add3A_39, %mul3A_137 : i32
      %add3A_139 = arith.constant 176 : i32
      %add3A_140 = arith.addi %mul3A_138, %add3A_139 : i32
      %get3A_141 = arith.index_cast %add3A_140 : i32 to index
      %get3A_142 = tpu.vector_load %arg8[%get3A_141] {strides = array<i32>} : memref<13312xf32, #tpu.memory_space<vmem>>, vector<16xf32>,
      %swap3A_143 = arith.index_cast %add3A_39 : i32 to index
      %swap3A_144 = arith.constant 176 : index
      %swap3A_145 = tpu.vector_load %arg6[%swap3A_143, %swap3A_144] {strides = array<i32>} : memref<26x512xf32, #tpu.memory_space<vmem>>, vector<16xf32>,
      tpu.vector_store %arg6[%swap3A_143, %swap3A_144], %get3A_142 {strides = array<i32>} : memref<26x512xf32, #tpu.memory_space<vmem>>, vector<16xf32>,
      %mul3A_146 = arith.constant 512 : i32
      %mul3A_147 = arith.muli %add3A_39, %mul3A_146 : i32
      %add3A_148 = arith.constant 192 : i32
      %add3A_149 = arith.addi %mul3A_147, %add3A_148 : i32
      %get3A_150 = arith.index_cast %add3A_149 : i32 to index
      %get3A_151 = tpu.vector_load %arg8[%get3A_150] {strides = array<i32>} : memref<13312xf32, #tpu.memory_space<vmem>>, vector<16xf32>,
      %swap3A_152 = arith.index_cast %add3A_39 : i32 to index
      %swap3A_153 = arith.constant 192 : index
      %swap3A_154 = tpu.vector_load %arg6[%swap3A_152, %swap3A_153] {strides = array<i32>} : memref<26x512xf32, #tpu.memory_space<vmem>>, vector<16xf32>,
      tpu.vector_store %arg6[%swap3A_152, %swap3A_153], %get3A_151 {strides = array<i32>} : memref<26x512xf32, #tpu.memory_space<vmem>>, vector<16xf32>,
      %mul3A_155 = arith.constant 512 : i32
      %mul3A_156 = arith.muli %add3A_39, %mul3A_155 : i32
      %add3A_157 = arith.constant 208 : i32
      %add3A_158 = arith.addi %mul3A_156, %add3A_157 : i32
      %get3A_159 = arith.index_cast %add3A_158 : i32 to index
      %get3A_160 = tpu.vector_load %arg8[%get3A_159] {strides = array<i32>} : memref<13312xf32, #tpu.memory_space<vmem>>, vector<16xf32>,
      %swap3A_161 = arith.index_cast %add3A_39 : i32 to index
      %swap3A_162 = arith.constant 208 : index
      %swap3A_163 = tpu.vector_load %arg6[%swap3A_161, %swap3A_162] {strides = array<i32>} : memref<26x512xf32, #tpu.memory_space<vmem>>, vector<16xf32>,
      tpu.vector_store %arg6[%swap3A_161, %swap3A_162], %get3A_160 {strides = array<i32>} : memref<26x512xf32, #tpu.memory_space<vmem>>, vector<16xf32>,
      %mul3A_164 = arith.constant 512 : i32
      %mul3A_165 = arith.muli %add3A_39, %mul3A_164 : i32
      %add3A_166 = arith.constant 224 : i32
      %add3A_167 = arith.addi %mul3A_165, %add3A_166 : i32
      %get3A_168 = arith.index_cast %add3A_167 : i32 to index
      %get3A_169 = tpu.vector_load %arg8[%get3A_168] {strides = array<i32>} : memref<13312xf32, #tpu.memory_space<vmem>>, vector<16xf32>,
      %swap3A_170 = arith.index_cast %add3A_39 : i32 to index
      %swap3A_171 = arith.constant 224 : index
      %swap3A_172 = tpu.vector_load %arg6[%swap3A_170, %swap3A_171] {strides = array<i32>} : memref<26x512xf32, #tpu.memory_space<vmem>>, vector<16xf32>,
      tpu.vector_store %arg6[%swap3A_170, %swap3A_171], %get3A_169 {strides = array<i32>} : memref<26x512xf32, #tpu.memory_space<vmem>>, vector<16xf32>,
      %mul3A_173 = arith.constant 512 : i32
      %mul3A_174 = arith.muli %add3A_39, %mul3A_173 : i32
      %add3A_175 = arith.constant 240 : i32
      %add3A_176 = arith.addi %mul3A_174, %add3A_175 : i32
      %get3A_177 = arith.index_cast %add3A_176 : i32 to index
      %get3A_178 = tpu.vector_load %arg8[%get3A_177] {strides = array<i32>} : memref<13312xf32, #tpu.memory_space<vmem>>, vector<16xf32>,
      %swap3A_179 = arith.index_cast %add3A_39 : i32 to index
      %swap3A_180 = arith.constant 240 : index
      %swap3A_181 = tpu.vector_load %arg6[%swap3A_179, %swap3A_180] {strides = array<i32>} : memref<26x512xf32, #tpu.memory_space<vmem>>, vector<16xf32>,
      tpu.vector_store %arg6[%swap3A_179, %swap3A_180], %get3A_178 {strides = array<i32>} : memref<26x512xf32, #tpu.memory_space<vmem>>, vector<16xf32>,
      %mul3A_182 = arith.constant 512 : i32
      %mul3A_183 = arith.muli %add3A_39, %mul3A_182 : i32
      %add3A_184 = arith.constant 256 : i32
      %add3A_185 = arith.addi %mul3A_183, %add3A_184 : i32
      %get3A_186 = arith.index_cast %add3A_185 : i32 to index
      %get3A_187 = tpu.vector_load %arg8[%get3A_186] {strides = array<i32>} : memref<13312xf32, #tpu.memory_space<vmem>>, vector<16xf32>,
      %swap3A_188 = arith.index_cast %add3A_39 : i32 to index
      %swap3A_189 = arith.constant 256 : index
      %swap3A_190 = tpu.vector_load %arg6[%swap3A_188, %swap3A_189] {strides = array<i32>} : memref<26x512xf32, #tpu.memory_space<vmem>>, vector<16xf32>,
      tpu.vector_store %arg6[%swap3A_188, %swap3A_189], %get3A_187 {strides = array<i32>} : memref<26x512xf32, #tpu.memory_space<vmem>>, vector<16xf32>,
      %mul3A_191 = arith.constant 512 : i32
      %mul3A_192 = arith.muli %add3A_39, %mul3A_191 : i32
      %add3A_193 = arith.constant 272 : i32
      %add3A_194 = arith.addi %mul3A_192, %add3A_193 : i32
      %get3A_195 = arith.index_cast %add3A_194 : i32 to index
      %get3A_196 = tpu.vector_load %arg8[%get3A_195] {strides = array<i32>} : memref<13312xf32, #tpu.memory_space<vmem>>, vector<16xf32>,
      %swap3A_197 = arith.index_cast %add3A_39 : i32 to index
      %swap3A_198 = arith.constant 272 : index
      %swap3A_199 = tpu.vector_load %arg6[%swap3A_197, %swap3A_198] {strides = array<i32>} : memref<26x512xf32, #tpu.memory_space<vmem>>, vector<16xf32>,
      tpu.vector_store %arg6[%swap3A_197, %swap3A_198], %get3A_196 {strides = array<i32>} : memref<26x512xf32, #tpu.memory_space<vmem>>, vector<16xf32>,
      %mul3A_200 = arith.constant 512 : i32
      %mul3A_201 = arith.muli %add3A_39, %mul3A_200 : i32
      %add3A_202 = arith.constant 288 : i32
      %add3A_203 = arith.addi %mul3A_201, %add3A_202 : i32
      %get3A_204 = arith.index_cast %add3A_203 : i32 to index
      %get3A_205 = tpu.vector_load %arg8[%get3A_204] {strides = array<i32>} : memref<13312xf32, #tpu.memory_space<vmem>>, vector<16xf32>,
      %swap3A_206 = arith.index_cast %add3A_39 : i32 to index
      %swap3A_207 = arith.constant 288 : index
      %swap3A_208 = tpu.vector_load %arg6[%swap3A_206, %swap3A_207] {strides = array<i32>} : memref<26x512xf32, #tpu.memory_space<vmem>>, vector<16xf32>,
      tpu.vector_store %arg6[%swap3A_206, %swap3A_207], %get3A_205 {strides = array<i32>} : memref<26x512xf32, #tpu.memory_space<vmem>>, vector<16xf32>,
      %mul3A_209 = arith.constant 512 : i32
      %mul3A_210 = arith.muli %add3A_39, %mul3A_209 : i32
      %add3A_211 = arith.constant 304 : i32
      %add3A_212 = arith.addi %mul3A_210, %add3A_211 : i32
      %get3A_213 = arith.index_cast %add3A_212 : i32 to index
      %get3A_214 = tpu.vector_load %arg8[%get3A_213] {strides = array<i32>} : memref<13312xf32, #tpu.memory_space<vmem>>, vector<16xf32>,
      %swap3A_215 = arith.index_cast %add3A_39 : i32 to index
      %swap3A_216 = arith.constant 304 : index
      %swap3A_217 = tpu.vector_load %arg6[%swap3A_215, %swap3A_216] {strides = array<i32>} : memref<26x512xf32, #tpu.memory_space<vmem>>, vector<16xf32>,
      tpu.vector_store %arg6[%swap3A_215, %swap3A_216], %get3A_214 {strides = array<i32>} : memref<26x512xf32, #tpu.memory_space<vmem>>, vector<16xf32>,
      %mul3A_218 = arith.constant 512 : i32
      %mul3A_219 = arith.muli %add3A_39, %mul3A_218 : i32
      %add3A_220 = arith.constant 320 : i32
      %add3A_221 = arith.addi %mul3A_219, %add3A_220 : i32
      %get3A_222 = arith.index_cast %add3A_221 : i32 to index
      %get3A_223 = tpu.vector_load %arg8[%get3A_222] {strides = array<i32>} : memref<13312xf32, #tpu.memory_space<vmem>>, vector<16xf32>,
      %swap3A_224 = arith.index_cast %add3A_39 : i32 to index
      %swap3A_225 = arith.constant 320 : index
      %swap3A_226 = tpu.vector_load %arg6[%swap3A_224, %swap3A_225] {strides = array<i32>} : memref<26x512xf32, #tpu.memory_space<vmem>>, vector<16xf32>,
      tpu.vector_store %arg6[%swap3A_224, %swap3A_225], %get3A_223 {strides = array<i32>} : memref<26x512xf32, #tpu.memory_space<vmem>>, vector<16xf32>,
      %mul3A_227 = arith.constant 512 : i32
      %mul3A_228 = arith.muli %add3A_39, %mul3A_227 : i32
      %add3A_229 = arith.constant 336 : i32
      %add3A_230 = arith.addi %mul3A_228, %add3A_229 : i32
      %get3A_231 = arith.index_cast %add3A_230 : i32 to index
      %get3A_232 = tpu.vector_load %arg8[%get3A_231] {strides = array<i32>} : memref<13312xf32, #tpu.memory_space<vmem>>, vector<16xf32>,
      %swap3A_233 = arith.index_cast %add3A_39 : i32 to index
      %swap3A_234 = arith.constant 336 : index
      %swap3A_235 = tpu.vector_load %arg6[%swap3A_233, %swap3A_234] {strides = array<i32>} : memref<26x512xf32, #tpu.memory_space<vmem>>, vector<16xf32>,
      tpu.vector_store %arg6[%swap3A_233, %swap3A_234], %get3A_232 {strides = array<i32>} : memref<26x512xf32, #tpu.memory_space<vmem>>, vector<16xf32>,
      %mul3A_236 = arith.constant 512 : i32
      %mul3A_237 = arith.muli %add3A_39, %mul3A_236 : i32
      %add3A_238 = arith.constant 352 : i32
      %add3A_239 = arith.addi %mul3A_237, %add3A_238 : i32
      %get3A_240 = arith.index_cast %add3A_239 : i32 to index
      %get3A_241 = tpu.vector_load %arg8[%get3A_240] {strides = array<i32>} : memref<13312xf32, #tpu.memory_space<vmem>>, vector<16xf32>,
      %swap3A_242 = arith.index_cast %add3A_39 : i32 to index
      %swap3A_243 = arith.constant 352 : index
      %swap3A_244 = tpu.vector_load %arg6[%swap3A_242, %swap3A_243] {strides = array<i32>} : memref<26x512xf32, #tpu.memory_space<vmem>>, vector<16xf32>,
      tpu.vector_store %arg6[%swap3A_242, %swap3A_243], %get3A_241 {strides = array<i32>} : memref<26x512xf32, #tpu.memory_space<vmem>>, vector<16xf32>,
      %mul3A_245 = arith.constant 512 : i32
      %mul3A_246 = arith.muli %add3A_39, %mul3A_245 : i32
      %add3A_247 = arith.constant 368 : i32
      %add3A_248 = arith.addi %mul3A_246, %add3A_247 : i32
      %get3A_249 = arith.index_cast %add3A_248 : i32 to index
      %get3A_250 = tpu.vector_load %arg8[%get3A_249] {strides = array<i32>} : memref<13312xf32, #tpu.memory_space<vmem>>, vector<16xf32>,
      %swap3A_251 = arith.index_cast %add3A_39 : i32 to index
      %swap3A_252 = arith.constant 368 : index
      %swap3A_253 = tpu.vector_load %arg6[%swap3A_251, %swap3A_252] {strides = array<i32>} : memref<26x512xf32, #tpu.memory_space<vmem>>, vector<16xf32>,
      tpu.vector_store %arg6[%swap3A_251, %swap3A_252], %get3A_250 {strides = array<i32>} : memref<26x512xf32, #tpu.memory_space<vmem>>, vector<16xf32>,
      %mul3A_254 = arith.constant 512 : i32
      %mul3A_255 = arith.muli %add3A_39, %mul3A_254 : i32
      %add3A_256 = arith.constant 384 : i32
      %add3A_257 = arith.addi %mul3A_255, %add3A_256 : i32
      %get3A_258 = arith.index_cast %add3A_257 : i32 to index
      %get3A_259 = tpu.vector_load %arg8[%get3A_258] {strides = array<i32>} : memref<13312xf32, #tpu.memory_space<vmem>>, vector<16xf32>,
      %swap3A_260 = arith.index_cast %add3A_39 : i32 to index
      %swap3A_261 = arith.constant 384 : index
      %swap3A_262 = tpu.vector_load %arg6[%swap3A_260, %swap3A_261] {strides = array<i32>} : memref<26x512xf32, #tpu.memory_space<vmem>>, vector<16xf32>,
      tpu.vector_store %arg6[%swap3A_260, %swap3A_261], %get3A_259 {strides = array<i32>} : memref<26x512xf32, #tpu.memory_space<vmem>>, vector<16xf32>,
      %mul3A_263 = arith.constant 512 : i32
      %mul3A_264 = arith.muli %add3A_39, %mul3A_263 : i32
      %add3A_265 = arith.constant 400 : i32
      %add3A_266 = arith.addi %mul3A_264, %add3A_265 : i32
      %get3A_267 = arith.index_cast %add3A_266 : i32 to index
      %get3A_268 = tpu.vector_load %arg8[%get3A_267] {strides = array<i32>} : memref<13312xf32, #tpu.memory_space<vmem>>, vector<16xf32>,
      %swap3A_269 = arith.index_cast %add3A_39 : i32 to index
      %swap3A_270 = arith.constant 400 : index
      %swap3A_271 = tpu.vector_load %arg6[%swap3A_269, %swap3A_270] {strides = array<i32>} : memref<26x512xf32, #tpu.memory_space<vmem>>, vector<16xf32>,
      tpu.vector_store %arg6[%swap3A_269, %swap3A_270], %get3A_268 {strides = array<i32>} : memref<26x512xf32, #tpu.memory_space<vmem>>, vector<16xf32>,
      %mul3A_272 = arith.constant 512 : i32
      %mul3A_273 = arith.muli %add3A_39, %mul3A_272 : i32
      %add3A_274 = arith.constant 416 : i32
      %add3A_275 = arith.addi %mul3A_273, %add3A_274 : i32
      %get3A_276 = arith.index_cast %add3A_275 : i32 to index
      %get3A_277 = tpu.vector_load %arg8[%get3A_276] {strides = array<i32>} : memref<13312xf32, #tpu.memory_space<vmem>>, vector<16xf32>,
      %swap3A_278 = arith.index_cast %add3A_39 : i32 to index
      %swap3A_279 = arith.constant 416 : index
      %swap3A_280 = tpu.vector_load %arg6[%swap3A_278, %swap3A_279] {strides = array<i32>} : memref<26x512xf32, #tpu.memory_space<vmem>>, vector<16xf32>,
      tpu.vector_store %arg6[%swap3A_278, %swap3A_279], %get3A_277 {strides = array<i32>} : memref<26x512xf32, #tpu.memory_space<vmem>>, vector<16xf32>,
      %mul3A_281 = arith.constant 512 : i32
      %mul3A_282 = arith.muli %add3A_39, %mul3A_281 : i32
      %add3A_283 = arith.constant 432 : i32
      %add3A_284 = arith.addi %mul3A_282, %add3A_283 : i32
      %get3A_285 = arith.index_cast %add3A_284 : i32 to index
      %get3A_286 = tpu.vector_load %arg8[%get3A_285] {strides = array<i32>} : memref<13312xf32, #tpu.memory_space<vmem>>, vector<16xf32>,
      %swap3A_287 = arith.index_cast %add3A_39 : i32 to index
      %swap3A_288 = arith.constant 432 : index
      %swap3A_289 = tpu.vector_load %arg6[%swap3A_287, %swap3A_288] {strides = array<i32>} : memref<26x512xf32, #tpu.memory_space<vmem>>, vector<16xf32>,
      tpu.vector_store %arg6[%swap3A_287, %swap3A_288], %get3A_286 {strides = array<i32>} : memref<26x512xf32, #tpu.memory_space<vmem>>, vector<16xf32>,
      %mul3A_290 = arith.constant 512 : i32
      %mul3A_291 = arith.muli %add3A_39, %mul3A_290 : i32
      %add3A_292 = arith.constant 448 : i32
      %add3A_293 = arith.addi %mul3A_291, %add3A_292 : i32
      %get3A_294 = arith.index_cast %add3A_293 : i32 to index
      %get3A_295 = tpu.vector_load %arg8[%get3A_294] {strides = array<i32>} : memref<13312xf32, #tpu.memory_space<vmem>>, vector<16xf32>,
      %swap3A_296 = arith.index_cast %add3A_39 : i32 to index
      %swap3A_297 = arith.constant 448 : index
      %swap3A_298 = tpu.vector_load %arg6[%swap3A_296, %swap3A_297] {strides = array<i32>} : memref<26x512xf32, #tpu.memory_space<vmem>>, vector<16xf32>,
      tpu.vector_store %arg6[%swap3A_296, %swap3A_297], %get3A_295 {strides = array<i32>} : memref<26x512xf32, #tpu.memory_space<vmem>>, vector<16xf32>,
      %mul3A_299 = arith.constant 512 : i32
      %mul3A_300 = arith.muli %add3A_39, %mul3A_299 : i32
      %add3A_301 = arith.constant 464 : i32
      %add3A_302 = arith.addi %mul3A_300, %add3A_301 : i32
      %get3A_303 = arith.index_cast %add3A_302 : i32 to index
      %get3A_304 = tpu.vector_load %arg8[%get3A_303] {strides = array<i32>} : memref<13312xf32, #tpu.memory_space<vmem>>, vector<16xf32>,
      %swap3A_305 = arith.index_cast %add3A_39 : i32 to index
      %swap3A_306 = arith.constant 464 : index
      %swap3A_307 = tpu.vector_load %arg6[%swap3A_305, %swap3A_306] {strides = array<i32>} : memref<26x512xf32, #tpu.memory_space<vmem>>, vector<16xf32>,
      tpu.vector_store %arg6[%swap3A_305, %swap3A_306], %get3A_304 {strides = array<i32>} : memref<26x512xf32, #tpu.memory_space<vmem>>, vector<16xf32>,
      %mul3A_308 = arith.constant 512 : i32
      %mul3A_309 = arith.muli %add3A_39, %mul3A_308 : i32
      %add3A_310 = arith.constant 480 : i32
      %add3A_311 = arith.addi %mul3A_309, %add3A_310 : i32
      %get3A_312 = arith.index_cast %add3A_311 : i32 to index
      %get3A_313 = tpu.vector_load %arg8[%get3A_312] {strides = array<i32>} : memref<13312xf32, #tpu.memory_space<vmem>>, vector<16xf32>,
      %swap3A_314 = arith.index_cast %add3A_39 : i32 to index
      %swap3A_315 = arith.constant 480 : index
      %swap3A_316 = tpu.vector_load %arg6[%swap3A_314, %swap3A_315] {strides = array<i32>} : memref<26x512xf32, #tpu.memory_space<vmem>>, vector<16xf32>,
      tpu.vector_store %arg6[%swap3A_314, %swap3A_315], %get3A_313 {strides = array<i32>} : memref<26x512xf32, #tpu.memory_space<vmem>>, vector<16xf32>,
      %mul3A_317 = arith.constant 512 : i32
      %mul3A_318 = arith.muli %add3A_39, %mul3A_317 : i32
      %add3A_319 = arith.constant 496 : i32
      %add3A_320 = arith.addi %mul3A_318, %add3A_319 : i32
      %get3A_321 = arith.index_cast %add3A_320 : i32 to index
      %get3A_322 = tpu.vector_load %arg8[%get3A_321] {strides = array<i32>} : memref<13312xf32, #tpu.memory_space<vmem>>, vector<16xf32>,
      %swap3A_323 = arith.index_cast %add3A_39 : i32 to index
      %swap3A_324 = arith.constant 496 : index
      %swap3A_325 = tpu.vector_load %arg6[%swap3A_323, %swap3A_324] {strides = array<i32>} : memref<26x512xf32, #tpu.memory_space<vmem>>, vector<16xf32>,
      tpu.vector_store %arg6[%swap3A_323, %swap3A_324], %get3A_322 {strides = array<i32>} : memref<26x512xf32, #tpu.memory_space<vmem>>, vector<16xf32>,
      %add3A_326 = arith.constant 13 : i32
      %add3A_327 = arith.addi %add3A_326, %add3A_39 : i32
      %dma_start3A_328 = arith.constant 0 : i32
      %dma_start3A_329 = tpu.memref_slice %arg6[%add3A_39, %dma_start3A_328] : memref<26x512xf32, #tpu.memory_space<vmem>> -> memref<1x512xf32, #tpu.memory_space<vmem>>
      %dma_start3A_330 = tpu.memref_squeeze %dma_start3A_329 : memref<1x512xf32, #tpu.memory_space<vmem>> -> memref<512xf32, #tpu.memory_space<vmem>>
      %dma_start3A_331 = tpu.memref_slice %arg5[%add3A_327, %mul3A_2] : memref<39x16384xf32, #tpu.memory_space<hbm>> -> memref<1x512xf32, #tpu.memory_space<hbm>>
      %dma_start3A_332 = tpu.memref_squeeze %dma_start3A_331 : memref<1x512xf32, #tpu.memory_space<hbm>> -> memref<512xf32, #tpu.memory_space<hbm>>
      %dma_start3A_333 = tpu.memref_slice %arg5[%add3A_327, %mul3A_2] : memref<39x16384xf32, #tpu.memory_space<hbm>> -> memref<1x512xf32, #tpu.memory_space<hbm>>
      %dma_start3A_334 = tpu.memref_squeeze %dma_start3A_333 : memref<1x512xf32, #tpu.memory_space<hbm>> -> memref<512xf32, #tpu.memory_space<hbm>>
      %dma_start3A_335 = arith.constant 0 : i32
      %dma_start3A_336 = tpu.memref_slice %arg6[%add3A_39, %dma_start3A_335] : memref<26x512xf32, #tpu.memory_space<vmem>> -> memref<1x512xf32, #tpu.memory_space<vmem>>
      %dma_start3A_337 = tpu.memref_squeeze %dma_start3A_336 : memref<1x512xf32, #tpu.memory_space<vmem>> -> memref<512xf32, #tpu.memory_space<vmem>>
      tpu.enqueue_dma source(%dma_start3A_337 : memref<512xf32, #tpu.memory_space<vmem>>) target(%dma_start3A_334 : memref<512xf32, #tpu.memory_space<hbm>>) target_semaphore(%arg12 : memref<!tpu.dma_semaphore, #tpu.memory_space<semaphore_mem>>)
    }
    %scan3A_25 = arith.constant 26 : i32
    %scan3A_26 = arith.constant 0 : i32
    %scan3A_27 = arith.constant 26 : i32
    %scan3A_28 = arith.addi %scan3A_26, %scan3A_27 : i32
    %scan3A_29 = arith.constant 1 : i32
    scf.for %scan3A_35 = %scan3A_26 to %scan3A_28 step %scan3A_29  : i32 {
      %mul3A_36 = arith.constant 1 : i32
      %mul3A_37 = arith.muli %scan3A_35, %mul3A_36 : i32
      %add3A_38 = arith.constant 0 : i32
      %add3A_39 = arith.addi %add3A_38, %mul3A_37 : i32
      %dma_wait3A_40 = arith.constant 0 : i32
      %dma_wait3A_41 = arith.constant 13 : i32
      %dma_wait3A_42 = arith.constant 0 : i32
      %dma_wait3A_43 = tpu.memref_slice %arg6[%dma_wait3A_40, %dma_wait3A_42] : memref<26x512xf32, #tpu.memory_space<vmem>> -> memref<1x512xf32, #tpu.memory_space<vmem>>
      %dma_wait3A_44 = tpu.memref_squeeze %dma_wait3A_43 : memref<1x512xf32, #tpu.memory_space<vmem>> -> memref<512xf32, #tpu.memory_space<vmem>>
      %dma_wait3A_45 = tpu.memref_slice %arg5[%dma_wait3A_41, %mul3A_2] : memref<39x16384xf32, #tpu.memory_space<hbm>> -> memref<1x512xf32, #tpu.memory_space<hbm>>
      %dma_wait3A_46 = tpu.memref_squeeze %dma_wait3A_45 : memref<1x512xf32, #tpu.memory_space<hbm>> -> memref<512xf32, #tpu.memory_space<hbm>>
      %dma_wait3A_47 = tpu.memref_slice %arg5[%dma_wait3A_41, %mul3A_2] : memref<39x16384xf32, #tpu.memory_space<hbm>> -> memref<1x512xf32, #tpu.memory_space<hbm>>
      %dma_wait3A_48 = tpu.memref_squeeze %dma_wait3A_47 : memref<1x512xf32, #tpu.memory_space<hbm>> -> memref<512xf32, #tpu.memory_space<hbm>>
      %dma_wait3A_49 = arith.constant 0 : i32
      %dma_wait3A_50 = tpu.memref_slice %arg6[%dma_wait3A_40, %dma_wait3A_49] : memref<26x512xf32, #tpu.memory_space<vmem>> -> memref<1x512xf32, #tpu.memory_space<vmem>>
      %dma_wait3A_51 = tpu.memref_squeeze %dma_wait3A_50 : memref<1x512xf32, #tpu.memory_space<vmem>> -> memref<512xf32, #tpu.memory_space<vmem>>
      tpu.wait_dma2 semaphore(%arg12 : memref<!tpu.dma_semaphore, #tpu.memory_space<semaphore_mem>>) src(%dma_wait3A_51 : memref<512xf32, #tpu.memory_space<vmem>>) dst(%dma_wait3A_48 : memref<512xf32, #tpu.memory_space<hbm>>)
    }
    %scan3A_30 = arith.constant 26 : i32
    %dma_wait3A_31 = arith.constant 0 : i32
    %dma_wait3A_32 = tpu.memref_slice %arg5[%dma_wait3A_31, %mul3A_2] : memref<39x16384xf32, #tpu.memory_space<hbm>> -> memref<13x512xf32, #tpu.memory_space<hbm>>
    %dma_wait3A_33 = arith.constant 0 : i32
    %dma_wait3A_34 = tpu.memref_slice %arg2[%dma_wait3A_33, %mul3A_2] : memref<39x16384xf32, #tpu.memory_space<hbm>> -> memref<13x512xf32, #tpu.memory_space<hbm>>
    tpu.wait_dma2 semaphore(%arg11 : memref<!tpu.dma_semaphore, #tpu.memory_space<semaphore_mem>>) src(%dma_wait3A_34 : memref<13x512xf32, #tpu.memory_space<hbm>>) dst(%dma_wait3A_32 : memref<13x512xf32, #tpu.memory_space<hbm>>)
    return
  }
}

</mosaic_0001>

<sc_bundles>
// kernel: kernel.3.cloned.1.call-start
scs
__scs_entry_jumppad:
0x0: {  	(pc) =	sbr.rel $0x88, $3  }
0x1: {  	(tag) =	ssettag $0x0;
	lr =	simm.s32 $0x1  }
0x2: {  	[smem:$0x3F9E] =	sst lr;
	_ =	strace $0xD0000000  }
0x3: {  	_ = 	snop  }
0x4: {  	_ = 	snop  }
0x5: {  	_ = 	snop  }
0x6: {  	_ = 	snop  }
0x7: {  	_ = 	snop  }
__scs_overlays_trampoline_lowered:
0x8: {  	[smem:$0x3FAD] =	sst s0  }
0x9: {  	[smem:$0x3FAE] =	sst s1  }
0xa: {  	[smem:$0x3FAF] =	sst s2  }
0xb: {  	[smem:$0x3FB0] =	sst s3  }
0xc: {  	[smem:$0x3FB1] =	sst s4  }
0xd: {  	[smem:$0x3FB2] =	sst s5  }
0xe: {  	[smem:$0x3FB3] =	sst s6  }
0xf: {  	[smem:$0x3FB4] =	sst s7  }
0x10: {  	[smem:$0x3FB5] =	sst s8  }
0x11: {  	[smem:$0x3FB6] =	sst s9;
	s0 =	simm.s32 @!p0 $0x0  }
0x12: {  	s1 =	sld [smem:$0x3F9C];
	s0 =	simm.s32 @p0 $0x1  }
0x13: {  	[smem:$0x3FB7] =	sst s0;
	s0 =	simm.s32 @!p1 $0x0  }
0x14: {  	s2 =	sld [smem:$0x3F9B];
	s0 =	simm.s32 @p1 $0x1  }
0x15: {  	[smem:$0x3FB8] =	sst s0;
	s0 =	simm.s32 @!p2 $0x0  }
0x16: {  	s3 =	sld [smem:$0x3FDB];
	s0 =	simm.s32 @p2 $0x1  }
0x17: {  	s4 =	simm.s32 $0x1BF5;
	[smem:$0x3FBA] =	sst s0  }
0x18: {  	s0 =	sld [smem:$0x3F9D];
	_ =	swait.ge [sflag:s4], $0x0  }
0x19: {  	s7 =	sld [smem:$0x3F9E]  }
0x1a: {  	s8 =	sadd.s32 $0xFFFFE003, lr  }
0x1b: {  	s9 =	sadd.s32 $0xFFFFFEF7, lr;
	s5 =	simm.s32 $0xFFFFFFFF;
	p2 =	slt.u32 s8, $0xFFFFF086  }
0x1c: {  	p1 =	slt.u32 s9, $0xF7A;
	s5 =	simm.s32 @!p2 $0x0  }
0x1d: {  	s5 =	simm.s32 @p1 $0x1;
	p0 =	seq.s32 s7, s2  }
0x1e: {  	s7 =	smul.u32 @!p0 $0xF7A, s2;
	p2 =	seq.s32 @!p0 s5, $0x0  }
0x1f: {  	s9 =	smul.u32 $0xF7A, s1;
	s8 =	simm.s32 @!p0 $0x1BF5;
	p2 =	por !p2, p0  }
0x20: {  	[sflag:s8] =	ssyncset.s32 @!p0 $0xFFFFF086;
	s6 =	sadd.s32 @!p0 s3, s7;
	s7 =	simm.s32 @!p0 $0x108  }
0x21: {  	s3 =	sadd.s32 s3, s9;
	s6 =	sadd.s32 @!p0 $0x88, s6;
	s7 =	simm.s32 @p2 $0x1082  }
0x22: {  	[simem:s7], [sflag:s8] =	dma.local @!p0 [hbm:s6], $0xF7A  }
0x23: {  	s9 =	sor.u32 $0xD0000000, s2;
	s6 =	simm.s32 $0x108;
	_ =	swait.ge @!p0 [sflag:s8], $0x0  }
0x24: {  	s3 =	sadd.s32 $0x88, s3;
	s6 =	simm.s32 @!p1 $0x1082;
	[sflag:s4] =	ssyncset.s32 $0xFFFFF086  }
0x25: {  	[simem:s6], [sflag:s4] =	dma.local [hbm:s3], $0xF7A  }
0x26: {  	[smem:$0x3F9E] =	sst s1;
	(tag) =	ssettag s2;
	_ =	strace s9  }
0x27: {  	s1 =	sld [smem:$0x3FAE]  }
0x28: {  	s2 =	sld [smem:$0x3FAF]  }
0x29: {  	s4 =	sld [smem:$0x3FB1]  }
0x2a: {  	p0 =	seq.s32 s5, $0x0;
	s5 =	sld [smem:$0x3FB2]  }
0x2b: {  	s6 =	sld [smem:$0x3FB3]  }
0x2c: {  	s7 =	sld [smem:$0x3FB4]  }
0x2d: {  	s3 =	simm.s32 $0x108;
	s8 =	sld [smem:$0x3FB5]  }
0x2e: {  	s3 =	simm.s32 @!p0 $0x1082;
	s9 =	sld [smem:$0x3FB6]  }
0x2f: {  	lr =	sadd.s32 s0, s3;
	s0 =	sld [smem:$0x3FAD]  }
0x30: {  	s3 =	sld [smem:$0x3FB0]  }
0x31: {  	[smem:$0x3FB9] =	sst s10  }
0x32: {  	s10 =	sld [smem:$0x3FB7];
	_ =	sdelay $0x3  }
0x33: {  	p0 =	seq.s32 s10, $0x1;
	s10 =	sld [smem:$0x3FB9];
	_ =	sdelay $0x3  }
0x34: {  	[smem:$0x3FB9] =	sst s10  }
0x35: {  	s10 =	sld [smem:$0x3FB8];
	_ =	sdelay $0x3  }
0x36: {  	p1 =	seq.s32 s10, $0x1;
	s10 =	sld [smem:$0x3FB9];
	_ =	sdelay $0x3  }
0x37: {  	[smem:$0x3FB9] =	sst s10  }
0x38: {  	s10 =	sld [smem:$0x3FBA]  }
0x39: {  	_ = 	snop;
	(pc) =	sbr.ind lr, $3  }
0x3a: {  	_ = 	snop  }
0x3b: {  	_ = 	snop  }
0x3c: {  	p2 =	seq.s32 s10, $0x1;
	s10 =	sld [smem:$0x3FB9]  }
0x3d: {  	_ =	shalt  }
0x3e: {  	_ =	shalt  }
0x3f: {  	_ =	shalt  }
0x40: {  	_ =	shalt  }
0x41: {  	_ =	shalt  }
0x42: {  	_ =	shalt  }
0x43: {  	_ =	shalt  }
0x44: {  	_ =	shalt  }
0x45: {  	_ =	shalt  }
0x46: {  	_ =	shalt  }
0x47: {  	_ =	shalt  }
0x48: {  	_ =	shalt  }
0x49: {  	_ =	shalt  }
0x4a: {  	_ =	shalt  }
0x4b: {  	_ =	shalt  }
0x4c: {  	_ =	shalt  }
0x4d: {  	_ =	shalt  }
0x4e: {  	_ =	shalt  }
0x4f: {  	_ =	shalt  }
0x50: {  	_ =	shalt  }
0x51: {  	_ =	shalt  }
0x52: {  	_ =	shalt  }
0x53: {  	_ =	shalt  }
0x54: {  	_ =	shalt  }
0x55: {  	_ =	shalt  }
0x56: {  	_ =	shalt  }
0x57: {  	_ =	shalt  }
0x58: {  	_ =	shalt  }
0x59: {  	_ =	shalt  }
0x5a: {  	_ =	shalt  }
0x5b: {  	_ =	shalt  }
0x5c: {  	_ =	shalt  }
0x5d: {  	_ =	shalt  }
0x5e: {  	_ =	shalt  }
0x5f: {  	_ =	shalt  }
0x60: {  	_ =	shalt  }
0x61: {  	_ =	shalt  }
0x62: {  	_ =	shalt  }
0x63: {  	_ =	shalt  }
0x64: {  	_ =	shalt  }
0x65: {  	_ =	shalt  }
0x66: {  	_ =	shalt  }
0x67: {  	_ =	shalt  }
0x68: {  	_ =	shalt  }
0x69: {  	_ =	shalt  }
0x6a: {  	_ =	shalt  }
0x6b: {  	_ =	shalt  }
0x6c: {  	_ =	shalt  }
0x6d: {  	_ =	shalt  }
0x6e: {  	_ =	shalt  }
0x6f: {  	_ =	shalt  }
0x70: {  	_ =	shalt  }
0x71: {  	_ =	shalt  }
0x72: {  	_ =	shalt  }
0x73: {  	_ =	shalt  }
0x74: {  	_ =	shalt  }
0x75: {  	_ =	shalt  }
0x76: {  	_ =	shalt  }
0x77: {  	_ =	shalt  }
0x78: {  	_ =	shalt  }
0x79: {  	_ =	shalt  }
0x7a: {  	_ =	shalt  }
0x7b: {  	_ =	shalt  }
0x7c: {  	_ =	shalt  }
0x7d: {  	_ =	shalt  }
0x7e: {  	_ =	shalt  }
0x7f: {  	_ =	shalt  }
0x80: {  	_ =	shalt  }
0x81: {  	_ =	shalt  }
0x82: {  	_ =	shalt  }
0x83: {  	_ =	shalt  }
0x84: {  	_ =	shalt  }
0x85: {  	_ =	shalt  }
0x86: {  	_ =	shalt  }
0x87: {  	_ =	shalt  }
.Lfunc_end0:
.L_simem_size_0:
called_computation_lowered:
.L_overlay_start_0:
0x88: {  	s2 =	sld [smem:$0x3FD9]  }
0x89: {  	s3 =	sld [smem:$0x3FFE];
	_ =	sdelay $0x1  }
0x8a: {  	s1 =	srdreg.scid  }
0x8b: {  	s0 =	sand.u32 $0x1, s1  }
0x8c: {  	s17 =	sshll.u32 s0, $0xA;
	s2 =	sadd.s32 s3, s2  }
0x8d: {  	s2 =	sadd.s32 s2, s17  }
0x8e: {  	[smem:$0x3FC5] =	sst s2  }
0x8f: {  	_ = 	snop  }
0x90: {  	s2 =	sld [smem:$0x3FC7]  }
0x91: {  	s18 =	sld [smem:$0x3FD0];
	(tm) =	ssettm $0x1  }
0x92: {  	s4 =	sld [smem:$0x3FFB];
	_ =	sdelay $0x3  }
0x93: {  	_ =	strace s4  }
0x94: {  	s4 =	sld [smem:$0x3FFC];
	_ =	sdelay $0x3  }
0x95: {  	_ =	strace s4  }
0x96: {  	s4 =	sld [smem:$0x3FFD];
	_ =	sdelay $0x3  }
0x97: {  	_ =	strace s4  }
0x98: {  	_ =	strace $0x8FFFFFFF  }
0x99: {  	s19 =	sld [smem:$0x3FDB];
	_ =	sdelay $0x1  }
0x9a: {  	s5 =	simm.s32 $_scs_section_size  }
0x9b: {  	s6 =	simm.s32 $_size__tile_overlayer_lowered;
	s7 =	simm.s32 $_tile_overlayer_lowered  }
0x9c: {  	s22 =	simm.s32 $0x1BFF;
	s21 =	sshll.u32 s7, $0x1;
	s4 =	sadd.s32 s5, s19  }
0x9d: {  	s8 =	simm.s32 $0x0;
	s20 =	sshll.u32 s6, $0x1;
	s6 =	sadd.s32 s21, s4  }
0x9e: {  	[timem:s8], [sflag:s22] =	dma.local [hbm:s6], s20  }
0x9f: {  	_ =	swait.ge [sflag:s22], s20  }
0xa0: {  	s5 =	ssub.s32 $0x0, s20;
	[sflag:s22] =	ssyncset.done $0x0  }
0xa1: {  	[sflag:s22] =	ssyncadd.s32 s5;
	_ =	sdelay $0x1  }
0xa2: {  	s23 =	simm.s32 $0x1B8B  }
0xa3: {  	_ =	swait.ge [sflag:s23], $0x1  }
0xa4: {  	[sflag:s23] =	ssyncset.done $0x0  }
0xa5: {  	s25 =	simm.s32 $0x1B8E;
	s24 =	sld [smem:$0x3FFE];
	[sflag:s23] =	ssyncadd.s32 $0xFFFFFFFF  }
0xa6: {  	s26 =	simm.s32 $execute0_lowered;
	[smem:$0x3FD2] =	sst s25  }
0xa7: {  	s6 =	sshll.u32 s26, $0x1;
	_ =	strace $0x80000046;
	[dreg:$0x1] =	wrdreg $0xFFFFFFFF  }
0xa8: {  	s28 =	simm.s32 $_size_execute0_lowered;
	s4 =	sadd.s32 s4, s6;
	[dreg:$0x0] =	wrdreg $0x0  }
0xa9: {  	s6 =	sshll.u32 s28, $0x1;
	[dreg:$0x2] =	wrdreg s4  }
0xaa: {  	[dreg:$0x3] =	wrdreg s6  }
0xab: {  	[dreg:$0x4] =	wrdreg $0xC0  }
0xac: {  	_ =	task [dreg:s8], $0x5FFFF  }
0xad: {  	[dreg:$0x1] =	wrdreg $0xFFFFFFFF  }
0xae: {  	[dreg:$0x0] =	wrdreg $0x60  }
0xaf: {  	[dreg:$0x2] =	wrdreg s18  }
0xb0: {  	[dreg:$0x3] =	wrdreg s24  }
0xb1: {  	[dreg:$0x4] =	wrdreg s2  }
0xb2: {  	[dreg:$0x5] =	wrdreg $0x9  }
0xb3: {  	_ =	task.clear_ibuf [dreg:s8], $0x6FFFF;
	_ =	strace $0x90000046  }
0xb4: {  	s29 =	simm.s32 $0x9;
	_ =	strace $0x80000048  }
0xb5: {  	_ =	swait.ge [sflag:s29], $0x1  }
0xb6: {  	[sflag:s29] =	ssyncadd.s32 $0xFFFFFFFF  }
0xb7: {  	_ =	strace $0x90000048  }
0xb8: {  	_ =	sfence  }
0xb9: {  	s30 =	sld [smem:$0x0];
	_ =	sdelay $0x2  }
0xba: {  	s31 =	sshll.u32 s1, $0xD;
	s1 =	sshrl.u32 s1, $0x2  }
0xbb: {  	s3 =	sand.u32 $0x4000, s31;
	s1 =	sadd.s32 s1, s30  }
0xbc: {  	s0 =	sor.u32 s3, s0;
	s1 =	sshll.u32 s1, $0x11  }
0xbd: {  	s0 =	sor.u32 s1, s0  }
0xbe: {  	s0 =	sadd.s32 $0x8F2B, s0  }
0xbf: {  	[sflag:s0] =	ssyncadd.remote.s32 $0x1  }
0xc0: {  	_ =	sfence.sel $0xFFFF  }
0xc1: {  	[dreg:$0x0] =	wrdreg $0xFFFFFFFF;
	(pc) =	sbr.abs _section_cstart, $3  }
0xc2: {  	[dreg:$0x1] =	wrdreg $0xFFFFFFFF  }
0xc3: {  	_ =	task.clear_ibuf [dreg:s8], $0x2FFFF;
	_ =	strace $0x9FFFFFFF  }
0xc4: {  	(tm) =	ssettm $0x7FFFFFFF  }
0xc5: {  	_ =	shalt  }
tec
execute0_lowered:
.L_overlay_start_1:
0x0: {  	(tag) =	ssettag $0x1  }
0x1: {  	s6 =	rddreg [dreg:$0x0]  }
0x2: {  	s5 =	rddreg [dreg:$0x1]  }
0x3: {  	s1 =	rddreg [dreg:$0x2]  }
0x4: {  	s0 =	rddreg [dreg:$0x3]  }
0x5: {  	s3 =	simm.s32 $0x0;
	s4 =	srdreg.scid;
	s2 =	stileid.u32  }
0x6: {  	s12 =	simm.s32 $0x800;
	s13 =	simm.s32 $0x9C00;
	s14 =	simm.s32 $0x200  }
0x7: {  	s15 =	simm.s32 $0x4000;
	s16 =	simm.s32 $0x1;
	s17 =	simm.s32 $0x3  }
0x8: {  	s18 =	simm.s32 $0x2;
	s19 =	simm.s32 $0x0;
	[smem:$0x7FF] =	sst s3  }
0x9: {  	s4 =	sand.u32 $0x1, s4;
	s8 =	sshll.u32 s2, $0xA;
	s11 =	sadd.s32 $0x4F800, s5  }
0xa: {  	s30 =	sshll.u32 s2, $0x6;
	s7 =	ssub.s32 $0x2, s4;
	s9 =	sshll.u32 s4, $0x9  }
0xb: {  	_ =	strace $0x80000047;
	s10 =	sshrl.u32 s7, $0x1;
	s8 =	sor.u32 s9, s8  }
0xc: {  	s4 =	sadd.s32 $0x200, s5;
	s28 =	ssub.s32 s7, s10;
	s29 =	sshrl.u32 s8, $0x3  }
0xd: {  	s8 =	sor.u32 $0x34000, s8;
	s7 =	sor.u32 $0x1C02, s30;
	s5 =	sadd.s32 s11, s29  }
0xe: {  	s6 =	sadd.s32 s6, s29;
	s31 =	sshrl.u32 s8, $0x3;
	s9 =	smax.u32 s28, $0x1  }
0xf: {  	s8 =	sadd.s32 $0x6800, s6;
	s10 =	sadd.s32 s31, s11;
	s11 =	simm.s32 $0x4  }
.LBB2_1:
0x10: {  	[hbm:s5@s12], [sflag:s7] =	dma.strided [hbm:s6@s12], $0x340, s11, $0x10   }
0x11: {  	[tilespmem:s13], [sflag:$0x4] =	stream.linear.gather [hbm4b:s1+s3], $0x20, $0x38;
	[tilespmem:$0x9C20] =	vst v63  }
0x12: {  	_ =	swait.ge [sflag:s11], $0x20  }
0x13: {  	[sflag:s11] =	ssyncset.done $0x0  }
0x14: {  	[sflag:s11] =	ssyncadd.s32 $0xFFFFFFE0  }
0x15: {  	[tilespmem:s3], [sflag:$0x4] =	stream.strided.gather [hbm4b:s8+s14], $0x3400, s15, s14, $0x38;
	[tilespmem:$0x9C20] =	vst v63  }
0x16: {  	_ =	swait.ge [sflag:s11], $0x3400  }
0x17: {  	s20 =	simm.s32 $0x6800;
	s21 =	simm.s32 $0x3400;
	[sflag:s11] =	ssyncset.done $0x0  }
0x18: {  	s22 =	simm.s32 $0x100;
	s23 =	simm.s32 $0x0;
	[sflag:s11] =	ssyncadd.s32 $0xFFFFCC00  }
.LBB2_2:
0x19: {  	v0 =	vmov s23;
	_ =	sdelay $0x1  }
0x1a: {  	v1 =	vld [tilespmem:s22+$0xFFFFFF00];
	_ =	sdelay $0x2  }
0x1b: {  	v0 =	vld.idx.msk [tilespmem:v0+s13+$0x0], $0xffff;
	_ =	sdelay $0x1  }
0x1c: {  	v1 =	vtrunc.f32 v1  }
0x1d: {  	v1 =	vcvt.f32.s32 v1;
	_ =	sdelay $0x1  }
0x1e: {  	v1 =	vadd.s32 v1, v0  }
0x1f: {  	[tilespmem:s21+$0x0] =	vst v1  }
0x20: {  	v1 =	vld [tilespmem:s22+$0xFFFFFF10];
	_ =	sdelay $0x4  }
0x21: {  	v1 =	vtrunc.f32 v1  }
0x22: {  	v1 =	vcvt.f32.s32 v1;
	_ =	sdelay $0x1  }
0x23: {  	v1 =	vadd.s32 v1, v0  }
0x24: {  	[tilespmem:s21+$0x10] =	vst v1  }
0x25: {  	v1 =	vld [tilespmem:s22+$0xFFFFFF20];
	_ =	sdelay $0x4  }
0x26: {  	v1 =	vtrunc.f32 v1  }
0x27: {  	v1 =	vcvt.f32.s32 v1;
	_ =	sdelay $0x1  }
0x28: {  	v1 =	vadd.s32 v1, v0  }
0x29: {  	[tilespmem:s21+$0x20] =	vst v1  }
0x2a: {  	v1 =	vld [tilespmem:s22+$0xFFFFFF30];
	_ =	sdelay $0x4  }
0x2b: {  	v1 =	vtrunc.f32 v1  }
0x2c: {  	v1 =	vcvt.f32.s32 v1;
	_ =	sdelay $0x1  }
0x2d: {  	v1 =	vadd.s32 v1, v0  }
0x2e: {  	[tilespmem:s21+$0x30] =	vst v1  }
0x2f: {  	v1 =	vld [tilespmem:s22+$0xFFFFFF40];
	_ =	sdelay $0x4  }
0x30: {  	v1 =	vtrunc.f32 v1  }
0x31: {  	v1 =	vcvt.f32.s32 v1;
	_ =	sdelay $0x1  }
0x32: {  	v1 =	vadd.s32 v1, v0  }
0x33: {  	[tilespmem:s21+$0x40] =	vst v1  }
0x34: {  	v1 =	vld [tilespmem:s22+$0xFFFFFF50];
	_ =	sdelay $0x4  }
0x35: {  	v1 =	vtrunc.f32 v1  }
0x36: {  	v1 =	vcvt.f32.s32 v1;
	_ =	sdelay $0x1  }
0x37: {  	v1 =	vadd.s32 v1, v0  }
0x38: {  	[tilespmem:s21+$0x50] =	vst v1  }
0x39: {  	v1 =	vld [tilespmem:s22+$0xFFFFFF60];
	_ =	sdelay $0x4  }
0x3a: {  	v1 =	vtrunc.f32 v1  }
0x3b: {  	v1 =	vcvt.f32.s32 v1;
	_ =	sdelay $0x1  }
0x3c: {  	v1 =	vadd.s32 v1, v0  }
0x3d: {  	[tilespmem:s21+$0x60] =	vst v1  }
0x3e: {  	v1 =	vld [tilespmem:s22+$0xFFFFFF70];
	_ =	sdelay $0x4  }
0x3f: {  	v1 =	vtrunc.f32 v1  }
0x40: {  	v1 =	vcvt.f32.s32 v1;
	_ =	sdelay $0x1  }
0x41: {  	v1 =	vadd.s32 v1, v0  }
0x42: {  	[tilespmem:s21+$0x70] =	vst v1  }
0x43: {  	v1 =	vld [tilespmem:s22+$0xFFFFFF80];
	_ =	sdelay $0x4  }
0x44: {  	v1 =	vtrunc.f32 v1  }
0x45: {  	v1 =	vcvt.f32.s32 v1;
	_ =	sdelay $0x1  }
0x46: {  	v1 =	vadd.s32 v1, v0  }
0x47: {  	[tilespmem:s21+$0x80] =	vst v1  }
0x48: {  	v1 =	vld [tilespmem:s22+$0xFFFFFF90];
	_ =	sdelay $0x4  }
0x49: {  	v1 =	vtrunc.f32 v1  }
0x4a: {  	v1 =	vcvt.f32.s32 v1;
	_ =	sdelay $0x1  }
0x4b: {  	v1 =	vadd.s32 v1, v0  }
0x4c: {  	[tilespmem:s21+$0x90] =	vst v1  }
0x4d: {  	v1 =	vld [tilespmem:s22+$0xFFFFFFA0];
	_ =	sdelay $0x4  }
0x4e: {  	v1 =	vtrunc.f32 v1  }
0x4f: {  	v1 =	vcvt.f32.s32 v1;
	_ =	sdelay $0x1  }
0x50: {  	v1 =	vadd.s32 v1, v0  }
0x51: {  	[tilespmem:s21+$0xA0] =	vst v1  }
0x52: {  	v1 =	vld [tilespmem:s22+$0xFFFFFFB0];
	_ =	sdelay $0x4  }
0x53: {  	v1 =	vtrunc.f32 v1  }
0x54: {  	v1 =	vcvt.f32.s32 v1;
	_ =	sdelay $0x1  }
0x55: {  	v1 =	vadd.s32 v1, v0  }
0x56: {  	[tilespmem:s21+$0xB0] =	vst v1  }
0x57: {  	v1 =	vld [tilespmem:s22+$0xFFFFFFC0];
	_ =	sdelay $0x4  }
0x58: {  	v1 =	vtrunc.f32 v1  }
0x59: {  	v1 =	vcvt.f32.s32 v1;
	_ =	sdelay $0x1  }
0x5a: {  	v1 =	vadd.s32 v1, v0  }
0x5b: {  	[tilespmem:s21+$0xC0] =	vst v1  }
0x5c: {  	v1 =	vld [tilespmem:s22+$0xFFFFFFD0];
	_ =	sdelay $0x4  }
0x5d: {  	v1 =	vtrunc.f32 v1  }
0x5e: {  	v1 =	vcvt.f32.s32 v1;
	_ =	sdelay $0x1  }
0x5f: {  	v1 =	vadd.s32 v1, v0  }
0x60: {  	[tilespmem:s21+$0xD0] =	vst v1  }
0x61: {  	v1 =	vld [tilespmem:s22+$0xFFFFFFE0];
	_ =	sdelay $0x4  }
0x62: {  	v1 =	vtrunc.f32 v1  }
0x63: {  	v1 =	vcvt.f32.s32 v1;
	_ =	sdelay $0x1  }
0x64: {  	v1 =	vadd.s32 v1, v0  }
0x65: {  	[tilespmem:s21+$0xE0] =	vst v1  }
0x66: {  	v1 =	vld [tilespmem:s22+$0xFFFFFFF0];
	_ =	sdelay $0x4  }
0x67: {  	v1 =	vtrunc.f32 v1  }
0x68: {  	v1 =	vcvt.f32.s32 v1;
	_ =	sdelay $0x1  }
0x69: {  	v1 =	vadd.s32 v1, v0  }
0x6a: {  	[tilespmem:s21+$0xF0] =	vst v1  }
0x6b: {  	v1 =	vld [tilespmem:s22+$0x0];
	_ =	sdelay $0x4  }
0x6c: {  	v1 =	vtrunc.f32 v1  }
0x6d: {  	v1 =	vcvt.f32.s32 v1;
	_ =	sdelay $0x1  }
0x6e: {  	v1 =	vadd.s32 v1, v0  }
0x6f: {  	[tilespmem:s21+$0x100] =	vst v1  }
0x70: {  	v1 =	vld [tilespmem:s22+$0x10];
	_ =	sdelay $0x4  }
0x71: {  	v1 =	vtrunc.f32 v1  }
0x72: {  	v1 =	vcvt.f32.s32 v1;
	_ =	sdelay $0x1  }
0x73: {  	v1 =	vadd.s32 v1, v0  }
0x74: {  	[tilespmem:s21+$0x110] =	vst v1  }
0x75: {  	v1 =	vld [tilespmem:s22+$0x20];
	_ =	sdelay $0x4  }
0x76: {  	v1 =	vtrunc.f32 v1  }
0x77: {  	v1 =	vcvt.f32.s32 v1;
	_ =	sdelay $0x1  }
0x78: {  	v1 =	vadd.s32 v1, v0  }
0x79: {  	[tilespmem:s21+$0x120] =	vst v1  }
0x7a: {  	v1 =	vld [tilespmem:s22+$0x30];
	_ =	sdelay $0x4  }
0x7b: {  	v1 =	vtrunc.f32 v1  }
0x7c: {  	v1 =	vcvt.f32.s32 v1;
	_ =	sdelay $0x1  }
0x7d: {  	v1 =	vadd.s32 v1, v0  }
0x7e: {  	[tilespmem:s21+$0x130] =	vst v1  }
0x7f: {  	v1 =	vld [tilespmem:s22+$0x40];
	_ =	sdelay $0x4  }
0x80: {  	v1 =	vtrunc.f32 v1  }
0x81: {  	v1 =	vcvt.f32.s32 v1;
	_ =	sdelay $0x1  }
0x82: {  	v1 =	vadd.s32 v1, v0  }
0x83: {  	[tilespmem:s21+$0x140] =	vst v1  }
0x84: {  	v1 =	vld [tilespmem:s22+$0x50];
	_ =	sdelay $0x4  }
0x85: {  	v1 =	vtrunc.f32 v1  }
0x86: {  	v1 =	vcvt.f32.s32 v1;
	_ =	sdelay $0x1  }
0x87: {  	v1 =	vadd.s32 v1, v0  }
0x88: {  	[tilespmem:s21+$0x150] =	vst v1  }
0x89: {  	v1 =	vld [tilespmem:s22+$0x60];
	_ =	sdelay $0x4  }
0x8a: {  	v1 =	vtrunc.f32 v1  }
0x8b: {  	v1 =	vcvt.f32.s32 v1;
	_ =	sdelay $0x1  }
0x8c: {  	v1 =	vadd.s32 v1, v0  }
0x8d: {  	[tilespmem:s21+$0x160] =	vst v1  }
0x8e: {  	v1 =	vld [tilespmem:s22+$0x70];
	_ =	sdelay $0x4  }
0x8f: {  	v1 =	vtrunc.f32 v1  }
0x90: {  	v1 =	vcvt.f32.s32 v1;
	_ =	sdelay $0x1  }
0x91: {  	v1 =	vadd.s32 v1, v0  }
0x92: {  	[tilespmem:s21+$0x170] =	vst v1  }
0x93: {  	v1 =	vld [tilespmem:s22+$0x80];
	_ =	sdelay $0x4  }
0x94: {  	v1 =	vtrunc.f32 v1  }
0x95: {  	v1 =	vcvt.f32.s32 v1;
	_ =	sdelay $0x1  }
0x96: {  	v1 =	vadd.s32 v1, v0  }
0x97: {  	[tilespmem:s21+$0x180] =	vst v1  }
0x98: {  	v1 =	vld [tilespmem:s22+$0x90];
	_ =	sdelay $0x4  }
0x99: {  	v1 =	vtrunc.f32 v1  }
0x9a: {  	v1 =	vcvt.f32.s32 v1;
	_ =	sdelay $0x1  }
0x9b: {  	v1 =	vadd.s32 v1, v0  }
0x9c: {  	[tilespmem:s21+$0x190] =	vst v1  }
0x9d: {  	v1 =	vld [tilespmem:s22+$0xA0];
	_ =	sdelay $0x4  }
0x9e: {  	v1 =	vtrunc.f32 v1  }
0x9f: {  	v1 =	vcvt.f32.s32 v1;
	_ =	sdelay $0x1  }
0xa0: {  	v1 =	vadd.s32 v1, v0  }
0xa1: {  	[tilespmem:s21+$0x1A0] =	vst v1  }
0xa2: {  	v1 =	vld [tilespmem:s22+$0xB0];
	_ =	sdelay $0x4  }
0xa3: {  	v1 =	vtrunc.f32 v1  }
0xa4: {  	v1 =	vcvt.f32.s32 v1;
	_ =	sdelay $0x1  }
0xa5: {  	v1 =	vadd.s32 v1, v0  }
0xa6: {  	[tilespmem:s21+$0x1B0] =	vst v1  }
0xa7: {  	v1 =	vld [tilespmem:s22+$0xC0];
	_ =	sdelay $0x4  }
0xa8: {  	v1 =	vtrunc.f32 v1  }
0xa9: {  	v1 =	vcvt.f32.s32 v1;
	_ =	sdelay $0x1  }
0xaa: {  	v1 =	vadd.s32 v1, v0  }
0xab: {  	[tilespmem:s21+$0x1C0] =	vst v1  }
0xac: {  	v1 =	vld [tilespmem:s22+$0xD0];
	_ =	sdelay $0x4  }
0xad: {  	v1 =	vtrunc.f32 v1  }
0xae: {  	v1 =	vcvt.f32.s32 v1;
	_ =	sdelay $0x1  }
0xaf: {  	v1 =	vadd.s32 v1, v0  }
0xb0: {  	[tilespmem:s21+$0x1D0] =	vst v1  }
0xb1: {  	v1 =	vld [tilespmem:s22+$0xE0];
	_ =	sdelay $0x4  }
0xb2: {  	v1 =	vtrunc.f32 v1  }
0xb3: {  	v1 =	vcvt.f32.s32 v1;
	_ =	sdelay $0x1  }
0xb4: {  	v1 =	vadd.s32 v1, v0  }
0xb5: {  	[tilespmem:s21+$0x1E0] =	vst v1  }
0xb6: {  	v1 =	vld [tilespmem:s22+$0xF0];
	_ =	sdelay $0x4  }
0xb7: {  	v1 =	vtrunc.f32 v1  }
0xb8: {  	p0 =	sne.s32 s23, $0x19;
	v1 =	vcvt.f32.s32 v1  }
.Ltmp0:
0xb9: {  	_ = 	snop;
	(pc) =	sbr.rel @p0 .LBB2_2-.Ltmp0, $4  }
0xba: {  	v0 =	vadd.s32 v1, v0  }
0xbb: {  	s23 =	sadd.s32 $0x1, s23;
	[tilespmem:s21+$0x1F0] =	vst v0  }
0xbc: {  	[tilespmem:s20], [sflag:$0x1] =	stream.indirect.gather [hbm4b:s4+s14], $0x1, s21, s14, $0xb8;
	[tilespmem:$0x9C20] =	vst v63  }
0xbd: {  	s22 =	sadd.s32 $0x200, s22;
	s20 =	sadd.s32 $0x200, s20;
	s21 =	sadd.s32 $0x200, s21  }
0xbe: {  	_ =	swait.ge [sflag:s16], $0x3400  }
0xbf: {  	[sflag:s16] =	ssyncset.done $0x0  }
0xc0: {  	s20 =	simm.s32 $0x0;
	[sflag:s16] =	ssyncadd.s32 $0xFFFFCC00  }
0xc1: {  	v0 =	vld [tilespmem:s20+$0x6800]  }
0xc2: {  	v1 =	vld [tilespmem:s20+$0x6810]  }
0xc3: {  	v2 =	vld [tilespmem:s20+$0x6820]  }
0xc4: {  	v3 =	vld [tilespmem:s20+$0x6830]  }
0xc5: {  	v4 =	vld [tilespmem:s20+$0x6840]  }
0xc6: {  	v5 =	vld [tilespmem:s20+$0x6990];
	[tilespmem:s20+$0x0] =	vst v0  }
0xc7: {  	v0 =	vld [tilespmem:s20+$0x6850];
	[tilespmem:s20+$0x10] =	vst v1  }
0xc8: {  	v1 =	vld [tilespmem:s20+$0x6860];
	[tilespmem:s20+$0x20] =	vst v2  }
0xc9: {  	v2 =	vld [tilespmem:s20+$0x6870];
	[tilespmem:s20+$0x30] =	vst v3  }
0xca: {  	v3 =	vld [tilespmem:s20+$0x6880];
	[tilespmem:s20+$0x40] =	vst v4  }
0xcb: {  	v4 =	vld [tilespmem:s20+$0x6890];
	[tilespmem:s20+$0x190] =	vst v5  }
0xcc: {  	[tilespmem:s20+$0x50] =	vst v0;
	v0 =	vld [tilespmem:s20+$0x68A0]  }
0xcd: {  	[tilespmem:s20+$0x60] =	vst v1;
	v1 =	vld [tilespmem:s20+$0x68B0]  }
0xce: {  	[tilespmem:s20+$0x70] =	vst v2;
	v2 =	vld [tilespmem:s20+$0x68C0]  }
0xcf: {  	[tilespmem:s20+$0x80] =	vst v3;
	v3 =	vld [tilespmem:s20+$0x68D0]  }
0xd0: {  	[tilespmem:s20+$0x90] =	vst v4;
	v4 =	vld [tilespmem:s20+$0x68E0]  }
0xd1: {  	[tilespmem:s20+$0xA0] =	vst v0;
	v0 =	vld [tilespmem:s20+$0x68F0]  }
0xd2: {  	[tilespmem:s20+$0xB0] =	vst v1;
	v1 =	vld [tilespmem:s20+$0x6900]  }
0xd3: {  	[tilespmem:s20+$0xC0] =	vst v2;
	v2 =	vld [tilespmem:s20+$0x6910]  }
0xd4: {  	[tilespmem:s20+$0xD0] =	vst v3;
	v3 =	vld [tilespmem:s20+$0x6920]  }
0xd5: {  	[tilespmem:s20+$0xE0] =	vst v4;
	v4 =	vld [tilespmem:s20+$0x6930]  }
0xd6: {  	[tilespmem:s20+$0xF0] =	vst v0;
	v0 =	vld [tilespmem:s20+$0x6940]  }
0xd7: {  	[tilespmem:s20+$0x100] =	vst v1;
	v1 =	vld [tilespmem:s20+$0x6950]  }
0xd8: {  	[tilespmem:s20+$0x110] =	vst v2;
	v2 =	vld [tilespmem:s20+$0x6960]  }
0xd9: {  	[tilespmem:s20+$0x120] =	vst v3;
	v3 =	vld [tilespmem:s20+$0x6970]  }
0xda: {  	[tilespmem:s20+$0x130] =	vst v4;
	v4 =	vld [tilespmem:s20+$0x6980]  }
0xdb: {  	[tilespmem:s20+$0x140] =	vst v0;
	v0 =	vld [tilespmem:s20+$0x69A0]  }
0xdc: {  	[tilespmem:s20+$0x150] =	vst v1;
	v1 =	vld [tilespmem:s20+$0x69B0]  }
0xdd: {  	[tilespmem:s20+$0x160] =	vst v2;
	v2 =	vld [tilespmem:s20+$0x69C0]  }
0xde: {  	[tilespmem:s20+$0x170] =	vst v3;
	v3 =	vld [tilespmem:s20+$0x69D0]  }
0xdf: {  	s21 =	simm.s32 $0x0;
	s22 =	simm.s32 $0x800;
	[tilespmem:s20+$0x180] =	vst v4;
	v4 =	vld [tilespmem:s20+$0x69E0]  }
.LBB2_4:
0xe0: {  	p0 =	sne.s32 s22, $0xC800;
	[tilespmem:s20+$0x1A0] =	vst v0;
	v0 =	vld [tilespmem:s20+$0x69F0]  }
0xe1: {  	[tilespmem:s20+$0x1B0] =	vst v1  }
0xe2: {  	[tilespmem:s20+$0x1C0] =	vst v2  }
0xe3: {  	[tilespmem:s20+$0x1D0] =	vst v3  }
0xe4: {  	s23 =	sshra.s32 s22, $0x2;
	s24 =	sadd.s32 s21, s10;
	s21 =	smov.u32 s22;
	[tilespmem:s20+$0x1E0] =	vst v4  }
0xe5: {  	[tilespmem:s20+$0x1F0] =	vst v0;
	[hbm4b:s24+s3] =	stream.linear.scatter [tilespmem:s20], [sflag:$0x3], $0x200, $0x38  }
0xe6: {  	s20 =	smov.u32 s23;
	v0 =	vld [tilespmem:s23+$0x6800]  }
0xe7: {  	v1 =	vld [tilespmem:s20+$0x6810]  }
0xe8: {  	v2 =	vld [tilespmem:s20+$0x6820]  }
0xe9: {  	v3 =	vld [tilespmem:s20+$0x6830]  }
0xea: {  	v4 =	vld [tilespmem:s20+$0x6840]  }
0xeb: {  	[tilespmem:s20+$0x0] =	vst v0;
	v0 =	vld [tilespmem:s20+$0x6850]  }
0xec: {  	[tilespmem:s20+$0x10] =	vst v1;
	v1 =	vld [tilespmem:s20+$0x6860]  }
0xed: {  	[tilespmem:s20+$0x20] =	vst v2;
	v2 =	vld [tilespmem:s20+$0x6870]  }
0xee: {  	[tilespmem:s20+$0x30] =	vst v3;
	v3 =	vld [tilespmem:s20+$0x6880]  }
0xef: {  	[tilespmem:s20+$0x40] =	vst v4;
	v4 =	vld [tilespmem:s20+$0x6890]  }
0xf0: {  	[tilespmem:s20+$0x50] =	vst v0;
	v0 =	vld [tilespmem:s20+$0x68A0]  }
0xf1: {  	[tilespmem:s20+$0x60] =	vst v1;
	v1 =	vld [tilespmem:s20+$0x68B0]  }
0xf2: {  	[tilespmem:s20+$0x70] =	vst v2;
	v2 =	vld [tilespmem:s20+$0x68C0]  }
0xf3: {  	[tilespmem:s20+$0x80] =	vst v3;
	v3 =	vld [tilespmem:s20+$0x68D0]  }
0xf4: {  	[tilespmem:s20+$0x90] =	vst v4;
	v4 =	vld [tilespmem:s20+$0x68E0]  }
0xf5: {  	[tilespmem:s20+$0xA0] =	vst v0;
	v0 =	vld [tilespmem:s20+$0x68F0]  }
0xf6: {  	[tilespmem:s20+$0xB0] =	vst v1;
	v1 =	vld [tilespmem:s20+$0x6900]  }
0xf7: {  	[tilespmem:s20+$0xC0] =	vst v2;
	v2 =	vld [tilespmem:s20+$0x6910]  }
0xf8: {  	[tilespmem:s20+$0xD0] =	vst v3;
	v3 =	vld [tilespmem:s20+$0x6920]  }
0xf9: {  	[tilespmem:s20+$0xE0] =	vst v4;
	v4 =	vld [tilespmem:s20+$0x6930]  }
0xfa: {  	[tilespmem:s20+$0xF0] =	vst v0;
	v0 =	vld [tilespmem:s20+$0x6940]  }
0xfb: {  	[tilespmem:s20+$0x100] =	vst v1;
	v1 =	vld [tilespmem:s20+$0x6950]  }
0xfc: {  	[tilespmem:s20+$0x110] =	vst v2;
	v2 =	vld [tilespmem:s20+$0x6960]  }
0xfd: {  	[tilespmem:s20+$0x120] =	vst v3;
	v3 =	vld [tilespmem:s20+$0x6970]  }
0xfe: {  	[tilespmem:s20+$0x130] =	vst v4;
	v4 =	vld [tilespmem:s20+$0x6980]  }
0xff: {  	[tilespmem:s20+$0x140] =	vst v0;
	v5 =	vld [tilespmem:s20+$0x6990]  }
.Ltmp1:
0x100: {  	[tilespmem:s20+$0x150] =	vst v1;
	v0 =	vld [tilespmem:s20+$0x69A0];
	(pc) =	sbr.rel @p0 .LBB2_4-.Ltmp1, $4  }
0x101: {  	[tilespmem:s20+$0x160] =	vst v2;
	v1 =	vld [tilespmem:s20+$0x69B0]  }
0x102: {  	[tilespmem:s20+$0x170] =	vst v3;
	v2 =	vld [tilespmem:s20+$0x69C0]  }
0x103: {  	[tilespmem:s20+$0x180] =	vst v4;
	v3 =	vld [tilespmem:s20+$0x69D0]  }
0x104: {  	s22 =	sadd.s32 $0x800, s22;
	[tilespmem:s20+$0x190] =	vst v5;
	v4 =	vld [tilespmem:s20+$0x69E0]  }
0x105: {  	[tilespmem:s20+$0x1A0] =	vst v0;
	v63 =	vld [tilespmem:s20+$0x69F0]  }
0x106: {  	[tilespmem:s20+$0x1B0] =	vst v1  }
0x107: {  	[tilespmem:s20+$0x1C0] =	vst v2  }
0x108: {  	[tilespmem:s20+$0x1D0] =	vst v3  }
0x109: {  	[tilespmem:s20+$0x1E0] =	vst v4  }
0x10a: {  	s21 =	sadd.s32 s21, s10;
	[tilespmem:s20+$0x1F0] =	vst v63  }
0x10b: {  	[hbm4b:s21+s3] =	stream.linear.scatter [tilespmem:s20], [sflag:$0x3], $0x200, $0x38;
	[tilespmem:$0x9C20] =	vst v63  }
0x10c: {  	_ =	swait.ge [sflag:s17], $0x200  }
0x10d: {  	[sflag:s17] =	ssyncset.done $0x0  }
0x10e: {  	[sflag:s17] =	ssyncadd.s32 $0xFFFFFE00  }
0x10f: {  	_ =	swait.ge [sflag:s17], $0x200  }
0x110: {  	[sflag:s17] =	ssyncset.done $0x0  }
0x111: {  	[sflag:s17] =	ssyncadd.s32 $0xFFFFFE00  }
0x112: {  	_ =	swait.ge [sflag:s17], $0x200  }
0x113: {  	[sflag:s17] =	ssyncset.done $0x0  }
0x114: {  	[sflag:s17] =	ssyncadd.s32 $0xFFFFFE00  }
0x115: {  	_ =	swait.ge [sflag:s17], $0x200  }
0x116: {  	[sflag:s17] =	ssyncset.done $0x0  }
0x117: {  	[sflag:s17] =	ssyncadd.s32 $0xFFFFFE00  }
0x118: {  	_ =	swait.ge [sflag:s17], $0x200  }
0x119: {  	[sflag:s17] =	ssyncset.done $0x0  }
0x11a: {  	[sflag:s17] =	ssyncadd.s32 $0xFFFFFE00  }
0x11b: {  	_ =	swait.ge [sflag:s17], $0x200  }
0x11c: {  	[sflag:s17] =	ssyncset.done $0x0  }
0x11d: {  	[sflag:s17] =	ssyncadd.s32 $0xFFFFFE00  }
0x11e: {  	_ =	swait.ge [sflag:s17], $0x200  }
0x11f: {  	[sflag:s17] =	ssyncset.done $0x0  }
0x120: {  	[sflag:s17] =	ssyncadd.s32 $0xFFFFFE00  }
0x121: {  	_ =	swait.ge [sflag:s17], $0x200  }
0x122: {  	[sflag:s17] =	ssyncset.done $0x0  }
0x123: {  	[sflag:s17] =	ssyncadd.s32 $0xFFFFFE00  }
0x124: {  	_ =	swait.ge [sflag:s17], $0x200  }
0x125: {  	[sflag:s17] =	ssyncset.done $0x0  }
0x126: {  	[sflag:s17] =	ssyncadd.s32 $0xFFFFFE00  }
0x127: {  	_ =	swait.ge [sflag:s17], $0x200  }
0x128: {  	[sflag:s17] =	ssyncset.done $0x0  }
0x129: {  	[sflag:s17] =	ssyncadd.s32 $0xFFFFFE00  }
0x12a: {  	_ =	swait.ge [sflag:s17], $0x200  }
0x12b: {  	[sflag:s17] =	ssyncset.done $0x0  }
0x12c: {  	[sflag:s17] =	ssyncadd.s32 $0xFFFFFE00  }
0x12d: {  	_ =	swait.ge [sflag:s17], $0x200  }
0x12e: {  	[sflag:s17] =	ssyncset.done $0x0  }
0x12f: {  	[sflag:s17] =	ssyncadd.s32 $0xFFFFFE00  }
0x130: {  	_ =	swait.ge [sflag:s17], $0x200  }
0x131: {  	[sflag:s17] =	ssyncset.done $0x0  }
0x132: {  	[sflag:s17] =	ssyncadd.s32 $0xFFFFFE00  }
0x133: {  	_ =	swait.ge [sflag:s17], $0x200  }
0x134: {  	[sflag:s17] =	ssyncset.done $0x0  }
0x135: {  	[sflag:s17] =	ssyncadd.s32 $0xFFFFFE00  }
0x136: {  	_ =	swait.ge [sflag:s17], $0x200  }
0x137: {  	[sflag:s17] =	ssyncset.done $0x0  }
0x138: {  	[sflag:s17] =	ssyncadd.s32 $0xFFFFFE00  }
0x139: {  	_ =	swait.ge [sflag:s17], $0x200  }
0x13a: {  	[sflag:s17] =	ssyncset.done $0x0  }
0x13b: {  	[sflag:s17] =	ssyncadd.s32 $0xFFFFFE00  }
0x13c: {  	_ =	swait.ge [sflag:s17], $0x200  }
0x13d: {  	[sflag:s17] =	ssyncset.done $0x0  }
0x13e: {  	[sflag:s17] =	ssyncadd.s32 $0xFFFFFE00  }
0x13f: {  	_ =	swait.ge [sflag:s17], $0x200  }
0x140: {  	[sflag:s17] =	ssyncset.done $0x0  }
0x141: {  	[sflag:s17] =	ssyncadd.s32 $0xFFFFFE00  }
0x142: {  	_ =	swait.ge [sflag:s17], $0x200  }
0x143: {  	[sflag:s17] =	ssyncset.done $0x0  }
0x144: {  	[sflag:s17] =	ssyncadd.s32 $0xFFFFFE00  }
0x145: {  	_ =	swait.ge [sflag:s17], $0x200  }
0x146: {  	[sflag:s17] =	ssyncset.done $0x0  }
0x147: {  	[sflag:s17] =	ssyncadd.s32 $0xFFFFFE00  }
0x148: {  	_ =	swait.ge [sflag:s17], $0x200  }
0x149: {  	[sflag:s17] =	ssyncset.done $0x0  }
0x14a: {  	[sflag:s17] =	ssyncadd.s32 $0xFFFFFE00  }
0x14b: {  	_ =	swait.ge [sflag:s17], $0x200  }
0x14c: {  	[sflag:s17] =	ssyncset.done $0x0  }
0x14d: {  	[sflag:s17] =	ssyncadd.s32 $0xFFFFFE00  }
0x14e: {  	_ =	swait.ge [sflag:s17], $0x200  }
0x14f: {  	[sflag:s17] =	ssyncset.done $0x0  }
0x150: {  	[sflag:s17] =	ssyncadd.s32 $0xFFFFFE00  }
0x151: {  	_ =	swait.ge [sflag:s17], $0x200  }
0x152: {  	[sflag:s17] =	ssyncset.done $0x0  }
0x153: {  	[sflag:s17] =	ssyncadd.s32 $0xFFFFFE00  }
0x154: {  	_ =	swait.ge [sflag:s17], $0x200  }
0x155: {  	[sflag:s17] =	ssyncset.done $0x0  }
0x156: {  	s19 =	sadd.s32 $0x1, s19;
	[sflag:s17] =	ssyncadd.s32 $0xFFFFFE00  }
0x157: {  	p0 =	sne.s32 s19, s9;
	_ =	swait.ge [sflag:s17], $0x200  }
.Ltmp2:
0x158: {  	[sflag:s17] =	ssyncset.done $0x0;
	(pc) =	sbr.rel @p0 .LBB2_1-.Ltmp2, $4  }
0x159: {  	[sflag:s17] =	ssyncadd.s32 $0xFFFFFE00  }
0x15a: {  	_ =	swait.ge [sflag:s18], $0x340  }
0x15b: {  	[sflag:s18] =	ssyncset.done $0x0  }
0x15c: {  	[sflag:s18] =	ssyncadd.s32 $0xFFFFFCC0  }
0x15d: {  	_ =	sfence.sel $0x180000  }
0x15e: {  	[bflag:$0x0] =	sbarrier.arrive $0xFFFF  }
0x15f: {  	p0 =	sne.s32 s2, $0x0;
	_ =	strace $0x90000047  }
0x160: {  	s0 =	sadd.s32 @!p0 $0x100000, s0;
	[bflag:$0x2] =	sbarrier.arrive $0xFFFF  }
0x161: {  	[sflag:s0] =	ssyncadd.tile.s32 @!p0 $0x1;
	_ =	shalt  }
.Lfunc_end2:
_tile_overlayer_lowered:
.L_overlay_start_2:
0x162: {  	(tag) =	ssettag $0x2  }
0x163: {  	s0 =	rddreg [dreg:$0x0];
	s2 =	stileid.u32  }
0x164: {  	s1 =	rddreg [dreg:$0x1];
	p0 =	sne.s32 s2, $0x0  }
0x165: {  	s3 =	rddreg [dreg:$0x2];
	[bflag:$0x3] =	sbarrier.arrive $0xFFFF;
	s2 =	simm.s32 @!p0 $0x1C04  }
0x166: {  	[timem:s3], [sflag:s2] =	dma.local @!p0 [hbm:s0], s1  }
0x167: {  	s0 =	simm.s32 @!p0 $0x4  }
0x168: {  	_ =	swait.ge @!p0 [sflag:s0], s1  }
0x169: {  	s1 =	ssub.s32 @!p0 $0x0, s1;
	[sflag:s0] =	ssyncset.done @!p0 $0x0  }
0x16a: {  	[sflag:s0] =	ssyncadd.s32 @!p0 s1  }
0x16b: {  	[bflag:$0x3] =	sbarrier.arrive $0xFFFF  }
0x16c: {  	_ =	shalt  }

</sc_bundles>
